<compile_context>
chip_gen: v7x
topology: tpu7x:2x2x1
jax: 0.10.2.dev20260603
libtpu: 0.0.44.dev20260713+nightly
codegen_flags: <defaults>
</compile_context>

<pallas_src>
import functools

import jax
import jax.numpy as jnp
from jax import lax
from jax.experimental import pallas as pl
from jax.experimental.pallas import tpu as pltpu
from jax.experimental.pallas import tpu_sc as plsc


@functools.lru_cache(maxsize=None)
def _build_gather(batch: int, nb_rows: int):
    info = plsc.get_sparse_core_info()
    nw = info.num_cores * info.num_subcores
    lanes = info.num_lanes
    assert batch % nw == 0
    b_per_w = batch // nw
    nslot = 16
    mesh = plsc.VectorSubcoreMesh(core_axis_name="c", subcore_axis_name="s")

    @functools.partial(
        pl.kernel,
        mesh=mesh,
        out_type=jax.ShapeDtypeStruct((batch * 16,), jnp.float32),
        scratch_types=[
            pltpu.VMEM((b_per_w + lanes,), jnp.int32),
            pltpu.VMEM((nslot, 16, 128), jnp.float32),
            pltpu.VMEM((b_per_w * 16,), jnp.float32),
            [pltpu.SemaphoreType.DMA] * nslot,
        ],
        compiler_params=pltpu.CompilerParams(needs_layout_passes=False),
    )
    def gather(idx_hbm, table_hbm, out_hbm, idx_s, tiles_v, out_v, sems):
        wid = lax.axis_index("s") * info.num_cores + lax.axis_index("c")
        base = wid * b_per_w
        iota = lax.iota(jnp.int32, lanes)
        pltpu.sync_copy(idx_hbm.at[pl.ds(base, b_per_w)], idx_s.at[pl.ds(0, b_per_w)])

        def read_idx(item):
            return idx_s[pl.ds(item, lanes)][0]

        def issue(item, slot):
            c = read_idx(item)
            cb = pl.multiple_of((c >> 7) << 7, 128)
            pltpu.async_copy(
                table_hbm.at[:, pl.ds(cb, 128)], tiles_v.at[slot], sems[slot]
            )

        def extract(item, slot):
            c = read_idx(item)
            coff = jnp.full((lanes,), c & 127, jnp.int32)
            g = plsc.load_gather(tiles_v.at[slot], [iota, coff])
            out_v[pl.ds(item * 16, 16)] = g

        for s in range(nslot):
            issue(s, s)

        def body(g, _):
            for s in range(nslot):
                item = g * nslot + s
                pltpu.make_async_copy(
                    table_hbm.at[:, pl.ds(0, 128)], tiles_v.at[s], sems[s]
                ).wait()
                extract(item, s)

                @pl.when(item + nslot < b_per_w)
                def _():
                    issue(item + nslot, s)

            return 0

        lax.fori_loop(0, b_per_w // nslot, body, 0)
        pltpu.sync_copy(out_v, out_hbm.at[pl.ds(base * 16, b_per_w * 16)])

    return gather


def kernel(x, data):
    batch = x.shape[0]
    inter = x.shape[1:-1]
    idx = x.reshape(-1).astype(jnp.int32)
    table = data.T
    out = _build_gather(idx.shape[0], data.shape[0])(idx, table)
    return out.reshape((batch,) + tuple(inter) + (data.shape[1],))

# --- scband reference (transcript-rebuilt; emitter-appended) ---
"""Pipeline reference for scband-auto-flow-8847632630055 (READ-ONLY COPY).

The authoritative reference and input builder live on the scoring server;
editing this copy changes nothing except your own understanding.
"""

import jax, jax.numpy as jnp
import numpy as np

NB_DATA = 1000000
EMBED_DIM = 16
BATCH = 16384


def setup_inputs(seed: int = 0) -> dict:
    key = jax.random.key(seed)
    k1, k2 = jax.random.split(key)
    # index tensor: shape [batch, 1]; last dim is the index slot per AutoFlow._Function
    x = jax.random.randint(k1, (BATCH, 1), 0, NB_DATA, dtype=jnp.int64 if jax.config.read('jax_enable_x64') else jnp.int32)
    # data parameter initialized like kaiming_uniform_(a=sqrt(5)) on a (nb_data, 16) tensor:
    # fan_in=16, gain=sqrt(2/(1+5))=1/sqrt(3), bound=gain*sqrt(3/fan_in)=0.25
    data = jax.random.uniform(k2, (NB_DATA, EMBED_DIM), dtype=jnp.float32, minval=-0.25, maxval=0.25)
    return {"x": x, "data": data}


def reference(x, data):
    # Faithful translation of _Function.forward:
    # batch_in_flatten = x.view(-1, 1); output[idx] = data[batch_in_flatten[idx]]
    # output reshaped to (batch_size, *inter_size, *data.shape[1:])
    batch_size = x.shape[0]
    inter_size = x.shape[1:-1]
    output_shape = data.shape[1:]
    flat_idx = x.reshape(-1)
    out = jnp.take(data, flat_idx, axis=0)
    out = out.reshape((batch_size,) + tuple(inter_size) + tuple(output_shape))
    return out

if __name__ == "__main__":
    import jax
    _d = setup_inputs()
    print(jax.jit(kernel)(*tuple(_d.values())))

</pallas_src>

<mosaic_0001>
#map = affine_map<(d0, d1) -> (0)>
#map1 = affine_map<(d0, d1) -> (0, 0)>
module attributes {stable_mosaic.version = 14 : i64} {
  func.func @gather(%arg0: i32, %arg1: i32, %arg2: memref<16384xi32, #tpu.memory_space<hbm>>, %arg3: memref<16x1000000xf32, #tpu.memory_space<hbm>>, %arg4: memref<262144xf32, #tpu.memory_space<hbm>>, %arg5: memref<528xi32, #tpu.memory_space<vmem>>, %arg6: memref<16x16x128xf32, #tpu.memory_space<vmem>>, %arg7: memref<8192xf32, #tpu.memory_space<vmem>>, %arg8: memref<!tpu.dma_semaphore, #tpu.memory_space<semaphore_mem>>, %arg9: memref<!tpu.dma_semaphore, #tpu.memory_space<semaphore_mem>>, %arg10: memref<!tpu.dma_semaphore, #tpu.memory_space<semaphore_mem>>, %arg11: memref<!tpu.dma_semaphore, #tpu.memory_space<semaphore_mem>>, %arg12: memref<!tpu.dma_semaphore, #tpu.memory_space<semaphore_mem>>, %arg13: memref<!tpu.dma_semaphore, #tpu.memory_space<semaphore_mem>>, %arg14: memref<!tpu.dma_semaphore, #tpu.memory_space<semaphore_mem>>, %arg15: memref<!tpu.dma_semaphore, #tpu.memory_space<semaphore_mem>>, %arg16: memref<!tpu.dma_semaphore, #tpu.memory_space<semaphore_mem>>, %arg17: memref<!tpu.dma_semaphore, #tpu.memory_space<semaphore_mem>>, %arg18: memref<!tpu.dma_semaphore, #tpu.memory_space<semaphore_mem>>, %arg19: memref<!tpu.dma_semaphore, #tpu.memory_space<semaphore_mem>>, %arg20: memref<!tpu.dma_semaphore, #tpu.memory_space<semaphore_mem>>, %arg21: memref<!tpu.dma_semaphore, #tpu.memory_space<semaphore_mem>>, %arg22: memref<!tpu.dma_semaphore, #tpu.memory_space<semaphore_mem>>, %arg23: memref<!tpu.dma_semaphore, #tpu.memory_space<semaphore_mem>>) attributes {dimension_semantics = [#tpu.dimension_semantics<core_parallel>, #tpu.dimension_semantics<subcore_parallel>], iteration_bounds = array<i64: 2, 16>, scalar_prefetch = 0 : i64, scratch_operands = 19 : i64, tpu.core_type = #tpu.core_type<sc_vector_subcore>, window_params = [{transform_indices = #map}, {transform_indices = #map1}, {transform_indices = #map}]} {
    %mul3A = arith.constant 2 : i32
    %mul3A_0 = arith.muli %arg1, %mul3A : i32
    %add3A = arith.addi %mul3A_0, %arg0 : i32
    %mul3A_1 = arith.constant 512 : i32
    %mul3A_2 = arith.muli %add3A, %mul3A_1 : i32
    %iota3A = tpu.iota {dimensions = array<i32: 0>} : vector<16xi32>
    "tpu.region"() ({
      %run_scoped3A = tpu.sem_alloc : memref<!tpu.dma_semaphore, #tpu.memory_space<semaphore_mem>>
      %dma_start3A_356 = arith.constant 0 : i32
      %dma_start3A_357 = tpu.memref_slice %arg5[%dma_start3A_356] : memref<528xi32, #tpu.memory_space<vmem>> -> memref<512xi32, #tpu.memory_space<vmem>>
      %dma_start3A_358 = tpu.memref_slice %arg2[%mul3A_2] : memref<16384xi32, #tpu.memory_space<hbm>> -> memref<512xi32, #tpu.memory_space<hbm>>
      %dma_start3A_359 = arith.constant 0 : i32
      %dma_start3A_360 = tpu.memref_slice %arg5[%dma_start3A_359] : memref<528xi32, #tpu.memory_space<vmem>> -> memref<512xi32, #tpu.memory_space<vmem>>
      %dma_start3A_361 = tpu.memref_slice %arg2[%mul3A_2] : memref<16384xi32, #tpu.memory_space<hbm>> -> memref<512xi32, #tpu.memory_space<hbm>>
      tpu.enqueue_dma source(%dma_start3A_361 : memref<512xi32, #tpu.memory_space<hbm>>) target(%dma_start3A_360 : memref<512xi32, #tpu.memory_space<vmem>>) target_semaphore(%run_scoped3A : memref<!tpu.dma_semaphore, #tpu.memory_space<semaphore_mem>>)
      %dma_wait3A = arith.constant 0 : i32
      %dma_wait3A_362 = tpu.memref_slice %arg5[%dma_wait3A] : memref<528xi32, #tpu.memory_space<vmem>> -> memref<512xi32, #tpu.memory_space<vmem>>
      %dma_wait3A_363 = tpu.memref_slice %arg2[%mul3A_2] : memref<16384xi32, #tpu.memory_space<hbm>> -> memref<512xi32, #tpu.memory_space<hbm>>
      %dma_wait3A_364 = arith.constant 0 : i32
      %dma_wait3A_365 = tpu.memref_slice %arg5[%dma_wait3A_364] : memref<528xi32, #tpu.memory_space<vmem>> -> memref<512xi32, #tpu.memory_space<vmem>>
      %dma_wait3A_366 = tpu.memref_slice %arg2[%mul3A_2] : memref<16384xi32, #tpu.memory_space<hbm>> -> memref<512xi32, #tpu.memory_space<hbm>>
      tpu.wait_dma2 semaphore(%run_scoped3A : memref<!tpu.dma_semaphore, #tpu.memory_space<semaphore_mem>>) src(%dma_wait3A_366 : memref<512xi32, #tpu.memory_space<hbm>>) dst(%dma_wait3A_365 : memref<512xi32, #tpu.memory_space<vmem>>)
      tpu.yield
    }) : () -> ()
    %get3A = arith.constant 0 : index
    %get3A_3 = tpu.vector_load %arg5[%get3A] {strides = array<i32>} : memref<528xi32, #tpu.memory_space<vmem>>, vector<16xi32>,
    %slice3A = vector.extract_strided_slice %get3A_3 {offsets = [0], sizes = [1], strides = [1]} : vector<16xi32> to vector<1xi32>
    %squeeze3A = vector.extract %slice3A[0] : i32 from vector<1xi32>
    %shift_right_arithmetic3A = arith.constant 7 : i32
    %shift_right_arithmetic3A_4 = arith.shrsi %squeeze3A, %shift_right_arithmetic3A : i32
    %shift_left3A = arith.constant 7 : i32
    %shift_left3A_5 = arith.shli %shift_right_arithmetic3A_4, %shift_left3A : i32
    %multiple_of3A = tpu.assume_multiple %shift_left3A_5, 128 : i32
    %dma_start3A = arith.constant 0 : i32
    %dma_start3A_6 = arith.constant 0 : i32
    %dma_start3A_7 = arith.constant 0 : i32
    %dma_start3A_8 = tpu.memref_slice %arg6[%dma_start3A, %dma_start3A_6, %dma_start3A_7] : memref<16x16x128xf32, #tpu.memory_space<vmem>> -> memref<1x16x128xf32, #tpu.memory_space<vmem>>
    %dma_start3A_9 = tpu.memref_squeeze %dma_start3A_8 : memref<1x16x128xf32, #tpu.memory_space<vmem>> -> memref<16x128xf32, #tpu.memory_space<vmem>>
    %dma_start3A_10 = arith.constant 0 : i32
    %dma_start3A_11 = tpu.memref_slice %arg3[%dma_start3A_10, %multiple_of3A] : memref<16x1000000xf32, #tpu.memory_space<hbm>> -> memref<16x128xf32, #tpu.memory_space<hbm>>
    %dma_start3A_12 = arith.constant 0 : i32
    %dma_start3A_13 = arith.constant 0 : i32
    %dma_start3A_14 = tpu.memref_slice %arg6[%dma_start3A, %dma_start3A_12, %dma_start3A_13] : memref<16x16x128xf32, #tpu.memory_space<vmem>> -> memref<1x16x128xf32, #tpu.memory_space<vmem>>
    %dma_start3A_15 = tpu.memref_squeeze %dma_start3A_14 : memref<1x16x128xf32, #tpu.memory_space<vmem>> -> memref<16x128xf32, #tpu.memory_space<vmem>>
    %dma_start3A_16 = arith.constant 0 : i32
    %dma_start3A_17 = tpu.memref_slice %arg3[%dma_start3A_16, %multiple_of3A] : memref<16x1000000xf32, #tpu.memory_space<hbm>> -> memref<16x128xf32, #tpu.memory_space<hbm>>
    tpu.enqueue_dma source(%dma_start3A_17 : memref<16x128xf32, #tpu.memory_space<hbm>>) target(%dma_start3A_15 : memref<16x128xf32, #tpu.memory_space<vmem>>) target_semaphore(%arg8 : memref<!tpu.dma_semaphore, #tpu.memory_space<semaphore_mem>>)
    %get3A_18 = arith.constant 1 : index
    %get3A_19 = tpu.vector_load %arg5[%get3A_18] {strides = array<i32>} : memref<528xi32, #tpu.memory_space<vmem>>, vector<16xi32>,
    %slice3A_20 = vector.extract_strided_slice %get3A_19 {offsets = [0], sizes = [1], strides = [1]} : vector<16xi32> to vector<1xi32>
    %squeeze3A_21 = vector.extract %slice3A_20[0] : i32 from vector<1xi32>
    %shift_right_arithmetic3A_22 = arith.constant 7 : i32
    %shift_right_arithmetic3A_23 = arith.shrsi %squeeze3A_21, %shift_right_arithmetic3A_22 : i32
    %shift_left3A_24 = arith.constant 7 : i32
    %shift_left3A_25 = arith.shli %shift_right_arithmetic3A_23, %shift_left3A_24 : i32
    %multiple_of3A_26 = tpu.assume_multiple %shift_left3A_25, 128 : i32
    %dma_start3A_27 = arith.constant 1 : i32
    %dma_start3A_28 = arith.constant 0 : i32
    %dma_start3A_29 = arith.constant 0 : i32
    %dma_start3A_30 = tpu.memref_slice %arg6[%dma_start3A_27, %dma_start3A_28, %dma_start3A_29] : memref<16x16x128xf32, #tpu.memory_space<vmem>> -> memref<1x16x128xf32, #tpu.memory_space<vmem>>
    %dma_start3A_31 = tpu.memref_squeeze %dma_start3A_30 : memref<1x16x128xf32, #tpu.memory_space<vmem>> -> memref<16x128xf32, #tpu.memory_space<vmem>>
    %dma_start3A_32 = arith.constant 0 : i32
    %dma_start3A_33 = tpu.memref_slice %arg3[%dma_start3A_32, %multiple_of3A_26] : memref<16x1000000xf32, #tpu.memory_space<hbm>> -> memref<16x128xf32, #tpu.memory_space<hbm>>
    %dma_start3A_34 = arith.constant 0 : i32
    %dma_start3A_35 = arith.constant 0 : i32
    %dma_start3A_36 = tpu.memref_slice %arg6[%dma_start3A_27, %dma_start3A_34, %dma_start3A_35] : memref<16x16x128xf32, #tpu.memory_space<vmem>> -> memref<1x16x128xf32, #tpu.memory_space<vmem>>
    %dma_start3A_37 = tpu.memref_squeeze %dma_start3A_36 : memref<1x16x128xf32, #tpu.memory_space<vmem>> -> memref<16x128xf32, #tpu.memory_space<vmem>>
    %dma_start3A_38 = arith.constant 0 : i32
    %dma_start3A_39 = tpu.memref_slice %arg3[%dma_start3A_38, %multiple_of3A_26] : memref<16x1000000xf32, #tpu.memory_space<hbm>> -> memref<16x128xf32, #tpu.memory_space<hbm>>
    tpu.enqueue_dma source(%dma_start3A_39 : memref<16x128xf32, #tpu.memory_space<hbm>>) target(%dma_start3A_37 : memref<16x128xf32, #tpu.memory_space<vmem>>) target_semaphore(%arg9 : memref<!tpu.dma_semaphore, #tpu.memory_space<semaphore_mem>>)
    %get3A_40 = arith.constant 2 : index
    %get3A_41 = tpu.vector_load %arg5[%get3A_40] {strides = array<i32>} : memref<528xi32, #tpu.memory_space<vmem>>, vector<16xi32>,
    %slice3A_42 = vector.extract_strided_slice %get3A_41 {offsets = [0], sizes = [1], strides = [1]} : vector<16xi32> to vector<1xi32>
    %squeeze3A_43 = vector.extract %slice3A_42[0] : i32 from vector<1xi32>
    %shift_right_arithmetic3A_44 = arith.constant 7 : i32
    %shift_right_arithmetic3A_45 = arith.shrsi %squeeze3A_43, %shift_right_arithmetic3A_44 : i32
    %shift_left3A_46 = arith.constant 7 : i32
    %shift_left3A_47 = arith.shli %shift_right_arithmetic3A_45, %shift_left3A_46 : i32
    %multiple_of3A_48 = tpu.assume_multiple %shift_left3A_47, 128 : i32
    %dma_start3A_49 = arith.constant 2 : i32
    %dma_start3A_50 = arith.constant 0 : i32
    %dma_start3A_51 = arith.constant 0 : i32
    %dma_start3A_52 = tpu.memref_slice %arg6[%dma_start3A_49, %dma_start3A_50, %dma_start3A_51] : memref<16x16x128xf32, #tpu.memory_space<vmem>> -> memref<1x16x128xf32, #tpu.memory_space<vmem>>
    %dma_start3A_53 = tpu.memref_squeeze %dma_start3A_52 : memref<1x16x128xf32, #tpu.memory_space<vmem>> -> memref<16x128xf32, #tpu.memory_space<vmem>>
    %dma_start3A_54 = arith.constant 0 : i32
    %dma_start3A_55 = tpu.memref_slice %arg3[%dma_start3A_54, %multiple_of3A_48] : memref<16x1000000xf32, #tpu.memory_space<hbm>> -> memref<16x128xf32, #tpu.memory_space<hbm>>
    %dma_start3A_56 = arith.constant 0 : i32
    %dma_start3A_57 = arith.constant 0 : i32
    %dma_start3A_58 = tpu.memref_slice %arg6[%dma_start3A_49, %dma_start3A_56, %dma_start3A_57] : memref<16x16x128xf32, #tpu.memory_space<vmem>> -> memref<1x16x128xf32, #tpu.memory_space<vmem>>
    %dma_start3A_59 = tpu.memref_squeeze %dma_start3A_58 : memref<1x16x128xf32, #tpu.memory_space<vmem>> -> memref<16x128xf32, #tpu.memory_space<vmem>>
    %dma_start3A_60 = arith.constant 0 : i32
    %dma_start3A_61 = tpu.memref_slice %arg3[%dma_start3A_60, %multiple_of3A_48] : memref<16x1000000xf32, #tpu.memory_space<hbm>> -> memref<16x128xf32, #tpu.memory_space<hbm>>
    tpu.enqueue_dma source(%dma_start3A_61 : memref<16x128xf32, #tpu.memory_space<hbm>>) target(%dma_start3A_59 : memref<16x128xf32, #tpu.memory_space<vmem>>) target_semaphore(%arg10 : memref<!tpu.dma_semaphore, #tpu.memory_space<semaphore_mem>>)
    %get3A_62 = arith.constant 3 : index
    %get3A_63 = tpu.vector_load %arg5[%get3A_62] {strides = array<i32>} : memref<528xi32, #tpu.memory_space<vmem>>, vector<16xi32>,
    %slice3A_64 = vector.extract_strided_slice %get3A_63 {offsets = [0], sizes = [1], strides = [1]} : vector<16xi32> to vector<1xi32>
    %squeeze3A_65 = vector.extract %slice3A_64[0] : i32 from vector<1xi32>
    %shift_right_arithmetic3A_66 = arith.constant 7 : i32
    %shift_right_arithmetic3A_67 = arith.shrsi %squeeze3A_65, %shift_right_arithmetic3A_66 : i32
    %shift_left3A_68 = arith.constant 7 : i32
    %shift_left3A_69 = arith.shli %shift_right_arithmetic3A_67, %shift_left3A_68 : i32
    %multiple_of3A_70 = tpu.assume_multiple %shift_left3A_69, 128 : i32
    %dma_start3A_71 = arith.constant 3 : i32
    %dma_start3A_72 = arith.constant 0 : i32
    %dma_start3A_73 = arith.constant 0 : i32
    %dma_start3A_74 = tpu.memref_slice %arg6[%dma_start3A_71, %dma_start3A_72, %dma_start3A_73] : memref<16x16x128xf32, #tpu.memory_space<vmem>> -> memref<1x16x128xf32, #tpu.memory_space<vmem>>
    %dma_start3A_75 = tpu.memref_squeeze %dma_start3A_74 : memref<1x16x128xf32, #tpu.memory_space<vmem>> -> memref<16x128xf32, #tpu.memory_space<vmem>>
    %dma_start3A_76 = arith.constant 0 : i32
    %dma_start3A_77 = tpu.memref_slice %arg3[%dma_start3A_76, %multiple_of3A_70] : memref<16x1000000xf32, #tpu.memory_space<hbm>> -> memref<16x128xf32, #tpu.memory_space<hbm>>
    %dma_start3A_78 = arith.constant 0 : i32
    %dma_start3A_79 = arith.constant 0 : i32
    %dma_start3A_80 = tpu.memref_slice %arg6[%dma_start3A_71, %dma_start3A_78, %dma_start3A_79] : memref<16x16x128xf32, #tpu.memory_space<vmem>> -> memref<1x16x128xf32, #tpu.memory_space<vmem>>
    %dma_start3A_81 = tpu.memref_squeeze %dma_start3A_80 : memref<1x16x128xf32, #tpu.memory_space<vmem>> -> memref<16x128xf32, #tpu.memory_space<vmem>>
    %dma_start3A_82 = arith.constant 0 : i32
    %dma_start3A_83 = tpu.memref_slice %arg3[%dma_start3A_82, %multiple_of3A_70] : memref<16x1000000xf32, #tpu.memory_space<hbm>> -> memref<16x128xf32, #tpu.memory_space<hbm>>
    tpu.enqueue_dma source(%dma_start3A_83 : memref<16x128xf32, #tpu.memory_space<hbm>>) target(%dma_start3A_81 : memref<16x128xf32, #tpu.memory_space<vmem>>) target_semaphore(%arg11 : memref<!tpu.dma_semaphore, #tpu.memory_space<semaphore_mem>>)
    %get3A_84 = arith.constant 4 : index
    %get3A_85 = tpu.vector_load %arg5[%get3A_84] {strides = array<i32>} : memref<528xi32, #tpu.memory_space<vmem>>, vector<16xi32>,
    %slice3A_86 = vector.extract_strided_slice %get3A_85 {offsets = [0], sizes = [1], strides = [1]} : vector<16xi32> to vector<1xi32>
    %squeeze3A_87 = vector.extract %slice3A_86[0] : i32 from vector<1xi32>
    %shift_right_arithmetic3A_88 = arith.constant 7 : i32
    %shift_right_arithmetic3A_89 = arith.shrsi %squeeze3A_87, %shift_right_arithmetic3A_88 : i32
    %shift_left3A_90 = arith.constant 7 : i32
    %shift_left3A_91 = arith.shli %shift_right_arithmetic3A_89, %shift_left3A_90 : i32
    %multiple_of3A_92 = tpu.assume_multiple %shift_left3A_91, 128 : i32
    %dma_start3A_93 = arith.constant 4 : i32
    %dma_start3A_94 = arith.constant 0 : i32
    %dma_start3A_95 = arith.constant 0 : i32
    %dma_start3A_96 = tpu.memref_slice %arg6[%dma_start3A_93, %dma_start3A_94, %dma_start3A_95] : memref<16x16x128xf32, #tpu.memory_space<vmem>> -> memref<1x16x128xf32, #tpu.memory_space<vmem>>
    %dma_start3A_97 = tpu.memref_squeeze %dma_start3A_96 : memref<1x16x128xf32, #tpu.memory_space<vmem>> -> memref<16x128xf32, #tpu.memory_space<vmem>>
    %dma_start3A_98 = arith.constant 0 : i32
    %dma_start3A_99 = tpu.memref_slice %arg3[%dma_start3A_98, %multiple_of3A_92] : memref<16x1000000xf32, #tpu.memory_space<hbm>> -> memref<16x128xf32, #tpu.memory_space<hbm>>
    %dma_start3A_100 = arith.constant 0 : i32
    %dma_start3A_101 = arith.constant 0 : i32
    %dma_start3A_102 = tpu.memref_slice %arg6[%dma_start3A_93, %dma_start3A_100, %dma_start3A_101] : memref<16x16x128xf32, #tpu.memory_space<vmem>> -> memref<1x16x128xf32, #tpu.memory_space<vmem>>
    %dma_start3A_103 = tpu.memref_squeeze %dma_start3A_102 : memref<1x16x128xf32, #tpu.memory_space<vmem>> -> memref<16x128xf32, #tpu.memory_space<vmem>>
    %dma_start3A_104 = arith.constant 0 : i32
    %dma_start3A_105 = tpu.memref_slice %arg3[%dma_start3A_104, %multiple_of3A_92] : memref<16x1000000xf32, #tpu.memory_space<hbm>> -> memref<16x128xf32, #tpu.memory_space<hbm>>
    tpu.enqueue_dma source(%dma_start3A_105 : memref<16x128xf32, #tpu.memory_space<hbm>>) target(%dma_start3A_103 : memref<16x128xf32, #tpu.memory_space<vmem>>) target_semaphore(%arg12 : memref<!tpu.dma_semaphore, #tpu.memory_space<semaphore_mem>>)
    %get3A_106 = arith.constant 5 : index
    %get3A_107 = tpu.vector_load %arg5[%get3A_106] {strides = array<i32>} : memref<528xi32, #tpu.memory_space<vmem>>, vector<16xi32>,
    %slice3A_108 = vector.extract_strided_slice %get3A_107 {offsets = [0], sizes = [1], strides = [1]} : vector<16xi32> to vector<1xi32>
    %squeeze3A_109 = vector.extract %slice3A_108[0] : i32 from vector<1xi32>
    %shift_right_arithmetic3A_110 = arith.constant 7 : i32
    %shift_right_arithmetic3A_111 = arith.shrsi %squeeze3A_109, %shift_right_arithmetic3A_110 : i32
    %shift_left3A_112 = arith.constant 7 : i32
    %shift_left3A_113 = arith.shli %shift_right_arithmetic3A_111, %shift_left3A_112 : i32
    %multiple_of3A_114 = tpu.assume_multiple %shift_left3A_113, 128 : i32
    %dma_start3A_115 = arith.constant 5 : i32
    %dma_start3A_116 = arith.constant 0 : i32
    %dma_start3A_117 = arith.constant 0 : i32
    %dma_start3A_118 = tpu.memref_slice %arg6[%dma_start3A_115, %dma_start3A_116, %dma_start3A_117] : memref<16x16x128xf32, #tpu.memory_space<vmem>> -> memref<1x16x128xf32, #tpu.memory_space<vmem>>
    %dma_start3A_119 = tpu.memref_squeeze %dma_start3A_118 : memref<1x16x128xf32, #tpu.memory_space<vmem>> -> memref<16x128xf32, #tpu.memory_space<vmem>>
    %dma_start3A_120 = arith.constant 0 : i32
    %dma_start3A_121 = tpu.memref_slice %arg3[%dma_start3A_120, %multiple_of3A_114] : memref<16x1000000xf32, #tpu.memory_space<hbm>> -> memref<16x128xf32, #tpu.memory_space<hbm>>
    %dma_start3A_122 = arith.constant 0 : i32
    %dma_start3A_123 = arith.constant 0 : i32
    %dma_start3A_124 = tpu.memref_slice %arg6[%dma_start3A_115, %dma_start3A_122, %dma_start3A_123] : memref<16x16x128xf32, #tpu.memory_space<vmem>> -> memref<1x16x128xf32, #tpu.memory_space<vmem>>
    %dma_start3A_125 = tpu.memref_squeeze %dma_start3A_124 : memref<1x16x128xf32, #tpu.memory_space<vmem>> -> memref<16x128xf32, #tpu.memory_space<vmem>>
    %dma_start3A_126 = arith.constant 0 : i32
    %dma_start3A_127 = tpu.memref_slice %arg3[%dma_start3A_126, %multiple_of3A_114] : memref<16x1000000xf32, #tpu.memory_space<hbm>> -> memref<16x128xf32, #tpu.memory_space<hbm>>
    tpu.enqueue_dma source(%dma_start3A_127 : memref<16x128xf32, #tpu.memory_space<hbm>>) target(%dma_start3A_125 : memref<16x128xf32, #tpu.memory_space<vmem>>) target_semaphore(%arg13 : memref<!tpu.dma_semaphore, #tpu.memory_space<semaphore_mem>>)
    %get3A_128 = arith.constant 6 : index
    %get3A_129 = tpu.vector_load %arg5[%get3A_128] {strides = array<i32>} : memref<528xi32, #tpu.memory_space<vmem>>, vector<16xi32>,
    %slice3A_130 = vector.extract_strided_slice %get3A_129 {offsets = [0], sizes = [1], strides = [1]} : vector<16xi32> to vector<1xi32>
    %squeeze3A_131 = vector.extract %slice3A_130[0] : i32 from vector<1xi32>
    %shift_right_arithmetic3A_132 = arith.constant 7 : i32
    %shift_right_arithmetic3A_133 = arith.shrsi %squeeze3A_131, %shift_right_arithmetic3A_132 : i32
    %shift_left3A_134 = arith.constant 7 : i32
    %shift_left3A_135 = arith.shli %shift_right_arithmetic3A_133, %shift_left3A_134 : i32
    %multiple_of3A_136 = tpu.assume_multiple %shift_left3A_135, 128 : i32
    %dma_start3A_137 = arith.constant 6 : i32
    %dma_start3A_138 = arith.constant 0 : i32
    %dma_start3A_139 = arith.constant 0 : i32
    %dma_start3A_140 = tpu.memref_slice %arg6[%dma_start3A_137, %dma_start3A_138, %dma_start3A_139] : memref<16x16x128xf32, #tpu.memory_space<vmem>> -> memref<1x16x128xf32, #tpu.memory_space<vmem>>
    %dma_start3A_141 = tpu.memref_squeeze %dma_start3A_140 : memref<1x16x128xf32, #tpu.memory_space<vmem>> -> memref<16x128xf32, #tpu.memory_space<vmem>>
    %dma_start3A_142 = arith.constant 0 : i32
    %dma_start3A_143 = tpu.memref_slice %arg3[%dma_start3A_142, %multiple_of3A_136] : memref<16x1000000xf32, #tpu.memory_space<hbm>> -> memref<16x128xf32, #tpu.memory_space<hbm>>
    %dma_start3A_144 = arith.constant 0 : i32
    %dma_start3A_145 = arith.constant 0 : i32
    %dma_start3A_146 = tpu.memref_slice %arg6[%dma_start3A_137, %dma_start3A_144, %dma_start3A_145] : memref<16x16x128xf32, #tpu.memory_space<vmem>> -> memref<1x16x128xf32, #tpu.memory_space<vmem>>
    %dma_start3A_147 = tpu.memref_squeeze %dma_start3A_146 : memref<1x16x128xf32, #tpu.memory_space<vmem>> -> memref<16x128xf32, #tpu.memory_space<vmem>>
    %dma_start3A_148 = arith.constant 0 : i32
    %dma_start3A_149 = tpu.memref_slice %arg3[%dma_start3A_148, %multiple_of3A_136] : memref<16x1000000xf32, #tpu.memory_space<hbm>> -> memref<16x128xf32, #tpu.memory_space<hbm>>
    tpu.enqueue_dma source(%dma_start3A_149 : memref<16x128xf32, #tpu.memory_space<hbm>>) target(%dma_start3A_147 : memref<16x128xf32, #tpu.memory_space<vmem>>) target_semaphore(%arg14 : memref<!tpu.dma_semaphore, #tpu.memory_space<semaphore_mem>>)
    %get3A_150 = arith.constant 7 : index
    %get3A_151 = tpu.vector_load %arg5[%get3A_150] {strides = array<i32>} : memref<528xi32, #tpu.memory_space<vmem>>, vector<16xi32>,
    %slice3A_152 = vector.extract_strided_slice %get3A_151 {offsets = [0], sizes = [1], strides = [1]} : vector<16xi32> to vector<1xi32>
    %squeeze3A_153 = vector.extract %slice3A_152[0] : i32 from vector<1xi32>
    %shift_right_arithmetic3A_154 = arith.constant 7 : i32
    %shift_right_arithmetic3A_155 = arith.shrsi %squeeze3A_153, %shift_right_arithmetic3A_154 : i32
    %shift_left3A_156 = arith.constant 7 : i32
    %shift_left3A_157 = arith.shli %shift_right_arithmetic3A_155, %shift_left3A_156 : i32
    %multiple_of3A_158 = tpu.assume_multiple %shift_left3A_157, 128 : i32
    %dma_start3A_159 = arith.constant 7 : i32
    %dma_start3A_160 = arith.constant 0 : i32
    %dma_start3A_161 = arith.constant 0 : i32
    %dma_start3A_162 = tpu.memref_slice %arg6[%dma_start3A_159, %dma_start3A_160, %dma_start3A_161] : memref<16x16x128xf32, #tpu.memory_space<vmem>> -> memref<1x16x128xf32, #tpu.memory_space<vmem>>
    %dma_start3A_163 = tpu.memref_squeeze %dma_start3A_162 : memref<1x16x128xf32, #tpu.memory_space<vmem>> -> memref<16x128xf32, #tpu.memory_space<vmem>>
    %dma_start3A_164 = arith.constant 0 : i32
    %dma_start3A_165 = tpu.memref_slice %arg3[%dma_start3A_164, %multiple_of3A_158] : memref<16x1000000xf32, #tpu.memory_space<hbm>> -> memref<16x128xf32, #tpu.memory_space<hbm>>
    %dma_start3A_166 = arith.constant 0 : i32
    %dma_start3A_167 = arith.constant 0 : i32
    %dma_start3A_168 = tpu.memref_slice %arg6[%dma_start3A_159, %dma_start3A_166, %dma_start3A_167] : memref<16x16x128xf32, #tpu.memory_space<vmem>> -> memref<1x16x128xf32, #tpu.memory_space<vmem>>
    %dma_start3A_169 = tpu.memref_squeeze %dma_start3A_168 : memref<1x16x128xf32, #tpu.memory_space<vmem>> -> memref<16x128xf32, #tpu.memory_space<vmem>>
    %dma_start3A_170 = arith.constant 0 : i32
    %dma_start3A_171 = tpu.memref_slice %arg3[%dma_start3A_170, %multiple_of3A_158] : memref<16x1000000xf32, #tpu.memory_space<hbm>> -> memref<16x128xf32, #tpu.memory_space<hbm>>
    tpu.enqueue_dma source(%dma_start3A_171 : memref<16x128xf32, #tpu.memory_space<hbm>>) target(%dma_start3A_169 : memref<16x128xf32, #tpu.memory_space<vmem>>) target_semaphore(%arg15 : memref<!tpu.dma_semaphore, #tpu.memory_space<semaphore_mem>>)
    %get3A_172 = arith.constant 8 : index
    %get3A_173 = tpu.vector_load %arg5[%get3A_172] {strides = array<i32>} : memref<528xi32, #tpu.memory_space<vmem>>, vector<16xi32>,
    %slice3A_174 = vector.extract_strided_slice %get3A_173 {offsets = [0], sizes = [1], strides = [1]} : vector<16xi32> to vector<1xi32>
    %squeeze3A_175 = vector.extract %slice3A_174[0] : i32 from vector<1xi32>
    %shift_right_arithmetic3A_176 = arith.constant 7 : i32
    %shift_right_arithmetic3A_177 = arith.shrsi %squeeze3A_175, %shift_right_arithmetic3A_176 : i32
    %shift_left3A_178 = arith.constant 7 : i32
    %shift_left3A_179 = arith.shli %shift_right_arithmetic3A_177, %shift_left3A_178 : i32
    %multiple_of3A_180 = tpu.assume_multiple %shift_left3A_179, 128 : i32
    %dma_start3A_181 = arith.constant 8 : i32
    %dma_start3A_182 = arith.constant 0 : i32
    %dma_start3A_183 = arith.constant 0 : i32
    %dma_start3A_184 = tpu.memref_slice %arg6[%dma_start3A_181, %dma_start3A_182, %dma_start3A_183] : memref<16x16x128xf32, #tpu.memory_space<vmem>> -> memref<1x16x128xf32, #tpu.memory_space<vmem>>
    %dma_start3A_185 = tpu.memref_squeeze %dma_start3A_184 : memref<1x16x128xf32, #tpu.memory_space<vmem>> -> memref<16x128xf32, #tpu.memory_space<vmem>>
    %dma_start3A_186 = arith.constant 0 : i32
    %dma_start3A_187 = tpu.memref_slice %arg3[%dma_start3A_186, %multiple_of3A_180] : memref<16x1000000xf32, #tpu.memory_space<hbm>> -> memref<16x128xf32, #tpu.memory_space<hbm>>
    %dma_start3A_188 = arith.constant 0 : i32
    %dma_start3A_189 = arith.constant 0 : i32
    %dma_start3A_190 = tpu.memref_slice %arg6[%dma_start3A_181, %dma_start3A_188, %dma_start3A_189] : memref<16x16x128xf32, #tpu.memory_space<vmem>> -> memref<1x16x128xf32, #tpu.memory_space<vmem>>
    %dma_start3A_191 = tpu.memref_squeeze %dma_start3A_190 : memref<1x16x128xf32, #tpu.memory_space<vmem>> -> memref<16x128xf32, #tpu.memory_space<vmem>>
    %dma_start3A_192 = arith.constant 0 : i32
    %dma_start3A_193 = tpu.memref_slice %arg3[%dma_start3A_192, %multiple_of3A_180] : memref<16x1000000xf32, #tpu.memory_space<hbm>> -> memref<16x128xf32, #tpu.memory_space<hbm>>
    tpu.enqueue_dma source(%dma_start3A_193 : memref<16x128xf32, #tpu.memory_space<hbm>>) target(%dma_start3A_191 : memref<16x128xf32, #tpu.memory_space<vmem>>) target_semaphore(%arg16 : memref<!tpu.dma_semaphore, #tpu.memory_space<semaphore_mem>>)
    %get3A_194 = arith.constant 9 : index
    %get3A_195 = tpu.vector_load %arg5[%get3A_194] {strides = array<i32>} : memref<528xi32, #tpu.memory_space<vmem>>, vector<16xi32>,
    %slice3A_196 = vector.extract_strided_slice %get3A_195 {offsets = [0], sizes = [1], strides = [1]} : vector<16xi32> to vector<1xi32>
    %squeeze3A_197 = vector.extract %slice3A_196[0] : i32 from vector<1xi32>
    %shift_right_arithmetic3A_198 = arith.constant 7 : i32
    %shift_right_arithmetic3A_199 = arith.shrsi %squeeze3A_197, %shift_right_arithmetic3A_198 : i32
    %shift_left3A_200 = arith.constant 7 : i32
    %shift_left3A_201 = arith.shli %shift_right_arithmetic3A_199, %shift_left3A_200 : i32
    %multiple_of3A_202 = tpu.assume_multiple %shift_left3A_201, 128 : i32
    %dma_start3A_203 = arith.constant 9 : i32
    %dma_start3A_204 = arith.constant 0 : i32
    %dma_start3A_205 = arith.constant 0 : i32
    %dma_start3A_206 = tpu.memref_slice %arg6[%dma_start3A_203, %dma_start3A_204, %dma_start3A_205] : memref<16x16x128xf32, #tpu.memory_space<vmem>> -> memref<1x16x128xf32, #tpu.memory_space<vmem>>
    %dma_start3A_207 = tpu.memref_squeeze %dma_start3A_206 : memref<1x16x128xf32, #tpu.memory_space<vmem>> -> memref<16x128xf32, #tpu.memory_space<vmem>>
    %dma_start3A_208 = arith.constant 0 : i32
    %dma_start3A_209 = tpu.memref_slice %arg3[%dma_start3A_208, %multiple_of3A_202] : memref<16x1000000xf32, #tpu.memory_space<hbm>> -> memref<16x128xf32, #tpu.memory_space<hbm>>
    %dma_start3A_210 = arith.constant 0 : i32
    %dma_start3A_211 = arith.constant 0 : i32
    %dma_start3A_212 = tpu.memref_slice %arg6[%dma_start3A_203, %dma_start3A_210, %dma_start3A_211] : memref<16x16x128xf32, #tpu.memory_space<vmem>> -> memref<1x16x128xf32, #tpu.memory_space<vmem>>
    %dma_start3A_213 = tpu.memref_squeeze %dma_start3A_212 : memref<1x16x128xf32, #tpu.memory_space<vmem>> -> memref<16x128xf32, #tpu.memory_space<vmem>>
    %dma_start3A_214 = arith.constant 0 : i32
    %dma_start3A_215 = tpu.memref_slice %arg3[%dma_start3A_214, %multiple_of3A_202] : memref<16x1000000xf32, #tpu.memory_space<hbm>> -> memref<16x128xf32, #tpu.memory_space<hbm>>
    tpu.enqueue_dma source(%dma_start3A_215 : memref<16x128xf32, #tpu.memory_space<hbm>>) target(%dma_start3A_213 : memref<16x128xf32, #tpu.memory_space<vmem>>) target_semaphore(%arg17 : memref<!tpu.dma_semaphore, #tpu.memory_space<semaphore_mem>>)
    %get3A_216 = arith.constant 10 : index
    %get3A_217 = tpu.vector_load %arg5[%get3A_216] {strides = array<i32>} : memref<528xi32, #tpu.memory_space<vmem>>, vector<16xi32>,
    %slice3A_218 = vector.extract_strided_slice %get3A_217 {offsets = [0], sizes = [1], strides = [1]} : vector<16xi32> to vector<1xi32>
    %squeeze3A_219 = vector.extract %slice3A_218[0] : i32 from vector<1xi32>
    %shift_right_arithmetic3A_220 = arith.constant 7 : i32
    %shift_right_arithmetic3A_221 = arith.shrsi %squeeze3A_219, %shift_right_arithmetic3A_220 : i32
    %shift_left3A_222 = arith.constant 7 : i32
    %shift_left3A_223 = arith.shli %shift_right_arithmetic3A_221, %shift_left3A_222 : i32
    %multiple_of3A_224 = tpu.assume_multiple %shift_left3A_223, 128 : i32
    %dma_start3A_225 = arith.constant 10 : i32
    %dma_start3A_226 = arith.constant 0 : i32
    %dma_start3A_227 = arith.constant 0 : i32
    %dma_start3A_228 = tpu.memref_slice %arg6[%dma_start3A_225, %dma_start3A_226, %dma_start3A_227] : memref<16x16x128xf32, #tpu.memory_space<vmem>> -> memref<1x16x128xf32, #tpu.memory_space<vmem>>
    %dma_start3A_229 = tpu.memref_squeeze %dma_start3A_228 : memref<1x16x128xf32, #tpu.memory_space<vmem>> -> memref<16x128xf32, #tpu.memory_space<vmem>>
    %dma_start3A_230 = arith.constant 0 : i32
    %dma_start3A_231 = tpu.memref_slice %arg3[%dma_start3A_230, %multiple_of3A_224] : memref<16x1000000xf32, #tpu.memory_space<hbm>> -> memref<16x128xf32, #tpu.memory_space<hbm>>
    %dma_start3A_232 = arith.constant 0 : i32
    %dma_start3A_233 = arith.constant 0 : i32
    %dma_start3A_234 = tpu.memref_slice %arg6[%dma_start3A_225, %dma_start3A_232, %dma_start3A_233] : memref<16x16x128xf32, #tpu.memory_space<vmem>> -> memref<1x16x128xf32, #tpu.memory_space<vmem>>
    %dma_start3A_235 = tpu.memref_squeeze %dma_start3A_234 : memref<1x16x128xf32, #tpu.memory_space<vmem>> -> memref<16x128xf32, #tpu.memory_space<vmem>>
    %dma_start3A_236 = arith.constant 0 : i32
    %dma_start3A_237 = tpu.memref_slice %arg3[%dma_start3A_236, %multiple_of3A_224] : memref<16x1000000xf32, #tpu.memory_space<hbm>> -> memref<16x128xf32, #tpu.memory_space<hbm>>
    tpu.enqueue_dma source(%dma_start3A_237 : memref<16x128xf32, #tpu.memory_space<hbm>>) target(%dma_start3A_235 : memref<16x128xf32, #tpu.memory_space<vmem>>) target_semaphore(%arg18 : memref<!tpu.dma_semaphore, #tpu.memory_space<semaphore_mem>>)
    %get3A_238 = arith.constant 11 : index
    %get3A_239 = tpu.vector_load %arg5[%get3A_238] {strides = array<i32>} : memref<528xi32, #tpu.memory_space<vmem>>, vector<16xi32>,
    %slice3A_240 = vector.extract_strided_slice %get3A_239 {offsets = [0], sizes = [1], strides = [1]} : vector<16xi32> to vector<1xi32>
    %squeeze3A_241 = vector.extract %slice3A_240[0] : i32 from vector<1xi32>
    %shift_right_arithmetic3A_242 = arith.constant 7 : i32
    %shift_right_arithmetic3A_243 = arith.shrsi %squeeze3A_241, %shift_right_arithmetic3A_242 : i32
    %shift_left3A_244 = arith.constant 7 : i32
    %shift_left3A_245 = arith.shli %shift_right_arithmetic3A_243, %shift_left3A_244 : i32
    %multiple_of3A_246 = tpu.assume_multiple %shift_left3A_245, 128 : i32
    %dma_start3A_247 = arith.constant 11 : i32
    %dma_start3A_248 = arith.constant 0 : i32
    %dma_start3A_249 = arith.constant 0 : i32
    %dma_start3A_250 = tpu.memref_slice %arg6[%dma_start3A_247, %dma_start3A_248, %dma_start3A_249] : memref<16x16x128xf32, #tpu.memory_space<vmem>> -> memref<1x16x128xf32, #tpu.memory_space<vmem>>
    %dma_start3A_251 = tpu.memref_squeeze %dma_start3A_250 : memref<1x16x128xf32, #tpu.memory_space<vmem>> -> memref<16x128xf32, #tpu.memory_space<vmem>>
    %dma_start3A_252 = arith.constant 0 : i32
    %dma_start3A_253 = tpu.memref_slice %arg3[%dma_start3A_252, %multiple_of3A_246] : memref<16x1000000xf32, #tpu.memory_space<hbm>> -> memref<16x128xf32, #tpu.memory_space<hbm>>
    %dma_start3A_254 = arith.constant 0 : i32
    %dma_start3A_255 = arith.constant 0 : i32
    %dma_start3A_256 = tpu.memref_slice %arg6[%dma_start3A_247, %dma_start3A_254, %dma_start3A_255] : memref<16x16x128xf32, #tpu.memory_space<vmem>> -> memref<1x16x128xf32, #tpu.memory_space<vmem>>
    %dma_start3A_257 = tpu.memref_squeeze %dma_start3A_256 : memref<1x16x128xf32, #tpu.memory_space<vmem>> -> memref<16x128xf32, #tpu.memory_space<vmem>>
    %dma_start3A_258 = arith.constant 0 : i32
    %dma_start3A_259 = tpu.memref_slice %arg3[%dma_start3A_258, %multiple_of3A_246] : memref<16x1000000xf32, #tpu.memory_space<hbm>> -> memref<16x128xf32, #tpu.memory_space<hbm>>
    tpu.enqueue_dma source(%dma_start3A_259 : memref<16x128xf32, #tpu.memory_space<hbm>>) target(%dma_start3A_257 : memref<16x128xf32, #tpu.memory_space<vmem>>) target_semaphore(%arg19 : memref<!tpu.dma_semaphore, #tpu.memory_space<semaphore_mem>>)
    %get3A_260 = arith.constant 12 : index
    %get3A_261 = tpu.vector_load %arg5[%get3A_260] {strides = array<i32>} : memref<528xi32, #tpu.memory_space<vmem>>, vector<16xi32>,
    %slice3A_262 = vector.extract_strided_slice %get3A_261 {offsets = [0], sizes = [1], strides = [1]} : vector<16xi32> to vector<1xi32>
    %squeeze3A_263 = vector.extract %slice3A_262[0] : i32 from vector<1xi32>
    %shift_right_arithmetic3A_264 = arith.constant 7 : i32
    %shift_right_arithmetic3A_265 = arith.shrsi %squeeze3A_263, %shift_right_arithmetic3A_264 : i32
    %shift_left3A_266 = arith.constant 7 : i32
    %shift_left3A_267 = arith.shli %shift_right_arithmetic3A_265, %shift_left3A_266 : i32
    %multiple_of3A_268 = tpu.assume_multiple %shift_left3A_267, 128 : i32
    %dma_start3A_269 = arith.constant 12 : i32
    %dma_start3A_270 = arith.constant 0 : i32
    %dma_start3A_271 = arith.constant 0 : i32
    %dma_start3A_272 = tpu.memref_slice %arg6[%dma_start3A_269, %dma_start3A_270, %dma_start3A_271] : memref<16x16x128xf32, #tpu.memory_space<vmem>> -> memref<1x16x128xf32, #tpu.memory_space<vmem>>
    %dma_start3A_273 = tpu.memref_squeeze %dma_start3A_272 : memref<1x16x128xf32, #tpu.memory_space<vmem>> -> memref<16x128xf32, #tpu.memory_space<vmem>>
    %dma_start3A_274 = arith.constant 0 : i32
    %dma_start3A_275 = tpu.memref_slice %arg3[%dma_start3A_274, %multiple_of3A_268] : memref<16x1000000xf32, #tpu.memory_space<hbm>> -> memref<16x128xf32, #tpu.memory_space<hbm>>
    %dma_start3A_276 = arith.constant 0 : i32
    %dma_start3A_277 = arith.constant 0 : i32
    %dma_start3A_278 = tpu.memref_slice %arg6[%dma_start3A_269, %dma_start3A_276, %dma_start3A_277] : memref<16x16x128xf32, #tpu.memory_space<vmem>> -> memref<1x16x128xf32, #tpu.memory_space<vmem>>
    %dma_start3A_279 = tpu.memref_squeeze %dma_start3A_278 : memref<1x16x128xf32, #tpu.memory_space<vmem>> -> memref<16x128xf32, #tpu.memory_space<vmem>>
    %dma_start3A_280 = arith.constant 0 : i32
    %dma_start3A_281 = tpu.memref_slice %arg3[%dma_start3A_280, %multiple_of3A_268] : memref<16x1000000xf32, #tpu.memory_space<hbm>> -> memref<16x128xf32, #tpu.memory_space<hbm>>
    tpu.enqueue_dma source(%dma_start3A_281 : memref<16x128xf32, #tpu.memory_space<hbm>>) target(%dma_start3A_279 : memref<16x128xf32, #tpu.memory_space<vmem>>) target_semaphore(%arg20 : memref<!tpu.dma_semaphore, #tpu.memory_space<semaphore_mem>>)
    %get3A_282 = arith.constant 13 : index
    %get3A_283 = tpu.vector_load %arg5[%get3A_282] {strides = array<i32>} : memref<528xi32, #tpu.memory_space<vmem>>, vector<16xi32>,
    %slice3A_284 = vector.extract_strided_slice %get3A_283 {offsets = [0], sizes = [1], strides = [1]} : vector<16xi32> to vector<1xi32>
    %squeeze3A_285 = vector.extract %slice3A_284[0] : i32 from vector<1xi32>
    %shift_right_arithmetic3A_286 = arith.constant 7 : i32
    %shift_right_arithmetic3A_287 = arith.shrsi %squeeze3A_285, %shift_right_arithmetic3A_286 : i32
    %shift_left3A_288 = arith.constant 7 : i32
    %shift_left3A_289 = arith.shli %shift_right_arithmetic3A_287, %shift_left3A_288 : i32
    %multiple_of3A_290 = tpu.assume_multiple %shift_left3A_289, 128 : i32
    %dma_start3A_291 = arith.constant 13 : i32
    %dma_start3A_292 = arith.constant 0 : i32
    %dma_start3A_293 = arith.constant 0 : i32
    %dma_start3A_294 = tpu.memref_slice %arg6[%dma_start3A_291, %dma_start3A_292, %dma_start3A_293] : memref<16x16x128xf32, #tpu.memory_space<vmem>> -> memref<1x16x128xf32, #tpu.memory_space<vmem>>
    %dma_start3A_295 = tpu.memref_squeeze %dma_start3A_294 : memref<1x16x128xf32, #tpu.memory_space<vmem>> -> memref<16x128xf32, #tpu.memory_space<vmem>>
    %dma_start3A_296 = arith.constant 0 : i32
    %dma_start3A_297 = tpu.memref_slice %arg3[%dma_start3A_296, %multiple_of3A_290] : memref<16x1000000xf32, #tpu.memory_space<hbm>> -> memref<16x128xf32, #tpu.memory_space<hbm>>
    %dma_start3A_298 = arith.constant 0 : i32
    %dma_start3A_299 = arith.constant 0 : i32
    %dma_start3A_300 = tpu.memref_slice %arg6[%dma_start3A_291, %dma_start3A_298, %dma_start3A_299] : memref<16x16x128xf32, #tpu.memory_space<vmem>> -> memref<1x16x128xf32, #tpu.memory_space<vmem>>
    %dma_start3A_301 = tpu.memref_squeeze %dma_start3A_300 : memref<1x16x128xf32, #tpu.memory_space<vmem>> -> memref<16x128xf32, #tpu.memory_space<vmem>>
    %dma_start3A_302 = arith.constant 0 : i32
    %dma_start3A_303 = tpu.memref_slice %arg3[%dma_start3A_302, %multiple_of3A_290] : memref<16x1000000xf32, #tpu.memory_space<hbm>> -> memref<16x128xf32, #tpu.memory_space<hbm>>
    tpu.enqueue_dma source(%dma_start3A_303 : memref<16x128xf32, #tpu.memory_space<hbm>>) target(%dma_start3A_301 : memref<16x128xf32, #tpu.memory_space<vmem>>) target_semaphore(%arg21 : memref<!tpu.dma_semaphore, #tpu.memory_space<semaphore_mem>>)
    %get3A_304 = arith.constant 14 : index
    %get3A_305 = tpu.vector_load %arg5[%get3A_304] {strides = array<i32>} : memref<528xi32, #tpu.memory_space<vmem>>, vector<16xi32>,
    %slice3A_306 = vector.extract_strided_slice %get3A_305 {offsets = [0], sizes = [1], strides = [1]} : vector<16xi32> to vector<1xi32>
    %squeeze3A_307 = vector.extract %slice3A_306[0] : i32 from vector<1xi32>
    %shift_right_arithmetic3A_308 = arith.constant 7 : i32
    %shift_right_arithmetic3A_309 = arith.shrsi %squeeze3A_307, %shift_right_arithmetic3A_308 : i32
    %shift_left3A_310 = arith.constant 7 : i32
    %shift_left3A_311 = arith.shli %shift_right_arithmetic3A_309, %shift_left3A_310 : i32
    %multiple_of3A_312 = tpu.assume_multiple %shift_left3A_311, 128 : i32
    %dma_start3A_313 = arith.constant 14 : i32
    %dma_start3A_314 = arith.constant 0 : i32
    %dma_start3A_315 = arith.constant 0 : i32
    %dma_start3A_316 = tpu.memref_slice %arg6[%dma_start3A_313, %dma_start3A_314, %dma_start3A_315] : memref<16x16x128xf32, #tpu.memory_space<vmem>> -> memref<1x16x128xf32, #tpu.memory_space<vmem>>
    %dma_start3A_317 = tpu.memref_squeeze %dma_start3A_316 : memref<1x16x128xf32, #tpu.memory_space<vmem>> -> memref<16x128xf32, #tpu.memory_space<vmem>>
    %dma_start3A_318 = arith.constant 0 : i32
    %dma_start3A_319 = tpu.memref_slice %arg3[%dma_start3A_318, %multiple_of3A_312] : memref<16x1000000xf32, #tpu.memory_space<hbm>> -> memref<16x128xf32, #tpu.memory_space<hbm>>
    %dma_start3A_320 = arith.constant 0 : i32
    %dma_start3A_321 = arith.constant 0 : i32
    %dma_start3A_322 = tpu.memref_slice %arg6[%dma_start3A_313, %dma_start3A_320, %dma_start3A_321] : memref<16x16x128xf32, #tpu.memory_space<vmem>> -> memref<1x16x128xf32, #tpu.memory_space<vmem>>
    %dma_start3A_323 = tpu.memref_squeeze %dma_start3A_322 : memref<1x16x128xf32, #tpu.memory_space<vmem>> -> memref<16x128xf32, #tpu.memory_space<vmem>>
    %dma_start3A_324 = arith.constant 0 : i32
    %dma_start3A_325 = tpu.memref_slice %arg3[%dma_start3A_324, %multiple_of3A_312] : memref<16x1000000xf32, #tpu.memory_space<hbm>> -> memref<16x128xf32, #tpu.memory_space<hbm>>
    tpu.enqueue_dma source(%dma_start3A_325 : memref<16x128xf32, #tpu.memory_space<hbm>>) target(%dma_start3A_323 : memref<16x128xf32, #tpu.memory_space<vmem>>) target_semaphore(%arg22 : memref<!tpu.dma_semaphore, #tpu.memory_space<semaphore_mem>>)
    %get3A_326 = arith.constant 15 : index
    %get3A_327 = tpu.vector_load %arg5[%get3A_326] {strides = array<i32>} : memref<528xi32, #tpu.memory_space<vmem>>, vector<16xi32>,
    %slice3A_328 = vector.extract_strided_slice %get3A_327 {offsets = [0], sizes = [1], strides = [1]} : vector<16xi32> to vector<1xi32>
    %squeeze3A_329 = vector.extract %slice3A_328[0] : i32 from vector<1xi32>
    %shift_right_arithmetic3A_330 = arith.constant 7 : i32
    %shift_right_arithmetic3A_331 = arith.shrsi %squeeze3A_329, %shift_right_arithmetic3A_330 : i32
    %shift_left3A_332 = arith.constant 7 : i32
    %shift_left3A_333 = arith.shli %shift_right_arithmetic3A_331, %shift_left3A_332 : i32
    %multiple_of3A_334 = tpu.assume_multiple %shift_left3A_333, 128 : i32
    %dma_start3A_335 = arith.constant 15 : i32
    %dma_start3A_336 = arith.constant 0 : i32
    %dma_start3A_337 = arith.constant 0 : i32
    %dma_start3A_338 = tpu.memref_slice %arg6[%dma_start3A_335, %dma_start3A_336, %dma_start3A_337] : memref<16x16x128xf32, #tpu.memory_space<vmem>> -> memref<1x16x128xf32, #tpu.memory_space<vmem>>
    %dma_start3A_339 = tpu.memref_squeeze %dma_start3A_338 : memref<1x16x128xf32, #tpu.memory_space<vmem>> -> memref<16x128xf32, #tpu.memory_space<vmem>>
    %dma_start3A_340 = arith.constant 0 : i32
    %dma_start3A_341 = tpu.memref_slice %arg3[%dma_start3A_340, %multiple_of3A_334] : memref<16x1000000xf32, #tpu.memory_space<hbm>> -> memref<16x128xf32, #tpu.memory_space<hbm>>
    %dma_start3A_342 = arith.constant 0 : i32
    %dma_start3A_343 = arith.constant 0 : i32
    %dma_start3A_344 = tpu.memref_slice %arg6[%dma_start3A_335, %dma_start3A_342, %dma_start3A_343] : memref<16x16x128xf32, #tpu.memory_space<vmem>> -> memref<1x16x128xf32, #tpu.memory_space<vmem>>
    %dma_start3A_345 = tpu.memref_squeeze %dma_start3A_344 : memref<1x16x128xf32, #tpu.memory_space<vmem>> -> memref<16x128xf32, #tpu.memory_space<vmem>>
    %dma_start3A_346 = arith.constant 0 : i32
    %dma_start3A_347 = tpu.memref_slice %arg3[%dma_start3A_346, %multiple_of3A_334] : memref<16x1000000xf32, #tpu.memory_space<hbm>> -> memref<16x128xf32, #tpu.memory_space<hbm>>
    tpu.enqueue_dma source(%dma_start3A_347 : memref<16x128xf32, #tpu.memory_space<hbm>>) target(%dma_start3A_345 : memref<16x128xf32, #tpu.memory_space<vmem>>) target_semaphore(%arg23 : memref<!tpu.dma_semaphore, #tpu.memory_space<semaphore_mem>>)
    %scan3A = arith.constant 0 : i32
    %scan3A_348 = arith.constant 0 : i32
    %scan3A_349 = arith.constant 32 : i32
    %scan3A_350 = arith.addi %scan3A_348, %scan3A_349 : i32
    %scan3A_351 = arith.constant 1 : i32
    %scan3A_352 = scf.for %scan3A_356 = %scan3A_348 to %scan3A_350 step %scan3A_351 iter_args(%scan3A_357 = %scan3A) -> (i32)  : i32 {
      %mul3A_358 = arith.constant 16 : i32
      %mul3A_359 = arith.muli %scan3A_356, %mul3A_358 : i32
      %add3A_360 = arith.constant 0 : i32
      %add3A_361 = arith.addi %mul3A_359, %add3A_360 : i32
      %dma_wait3A = arith.constant 0 : i32
      %dma_wait3A_362 = arith.constant 0 : i32
      %dma_wait3A_363 = arith.constant 0 : i32
      %dma_wait3A_364 = tpu.memref_slice %arg6[%dma_wait3A, %dma_wait3A_362, %dma_wait3A_363] : memref<16x16x128xf32, #tpu.memory_space<vmem>> -> memref<1x16x128xf32, #tpu.memory_space<vmem>>
      %dma_wait3A_365 = tpu.memref_squeeze %dma_wait3A_364 : memref<1x16x128xf32, #tpu.memory_space<vmem>> -> memref<16x128xf32, #tpu.memory_space<vmem>>
      %dma_wait3A_366 = arith.constant 0 : i32
      %dma_wait3A_367 = arith.constant 0 : i32
      %dma_wait3A_368 = tpu.memref_slice %arg3[%dma_wait3A_366, %dma_wait3A_367] : memref<16x1000000xf32, #tpu.memory_space<hbm>> -> memref<16x128xf32, #tpu.memory_space<hbm>>
      %dma_wait3A_369 = arith.constant 0 : i32
      %dma_wait3A_370 = arith.constant 0 : i32
      %dma_wait3A_371 = tpu.memref_slice %arg6[%dma_wait3A, %dma_wait3A_369, %dma_wait3A_370] : memref<16x16x128xf32, #tpu.memory_space<vmem>> -> memref<1x16x128xf32, #tpu.memory_space<vmem>>
      %dma_wait3A_372 = tpu.memref_squeeze %dma_wait3A_371 : memref<1x16x128xf32, #tpu.memory_space<vmem>> -> memref<16x128xf32, #tpu.memory_space<vmem>>
      %dma_wait3A_373 = arith.constant 0 : i32
      %dma_wait3A_374 = arith.constant 0 : i32
      %dma_wait3A_375 = tpu.memref_slice %arg3[%dma_wait3A_373, %dma_wait3A_374] : memref<16x1000000xf32, #tpu.memory_space<hbm>> -> memref<16x128xf32, #tpu.memory_space<hbm>>
      tpu.wait_dma2 semaphore(%arg8 : memref<!tpu.dma_semaphore, #tpu.memory_space<semaphore_mem>>) src(%dma_wait3A_375 : memref<16x128xf32, #tpu.memory_space<hbm>>) dst(%dma_wait3A_372 : memref<16x128xf32, #tpu.memory_space<vmem>>)
      %get3A_376 = arith.index_cast %add3A_361 : i32 to index
      %get3A_377 = tpu.vector_load %arg5[%get3A_376] {strides = array<i32>} : memref<528xi32, #tpu.memory_space<vmem>>, vector<16xi32>,
      %slice3A_378 = vector.extract_strided_slice %get3A_377 {offsets = [0], sizes = [1], strides = [1]} : vector<16xi32> to vector<1xi32>
      %squeeze3A_379 = vector.extract %slice3A_378[0] : i32 from vector<1xi32>
      %and3A = arith.constant 127 : i32
      %and3A_380 = arith.andi %squeeze3A_379, %and3A : i32
      %broadcast_in_dim3A = vector.broadcast %and3A_380 : i32 to vector<16xi32>
      %gather3A = arith.constant 0 : i32
      %gather3A_381 = arith.constant 0 : i32
      %gather3A_382 = arith.constant 0 : i32
      %gather3A_383 = tpu.memref_slice %arg6[%gather3A, %gather3A_381, %gather3A_382] : memref<16x16x128xf32, #tpu.memory_space<vmem>> -> memref<1x16x128xf32, #tpu.memory_space<vmem>>
      %gather3A_384 = tpu.memref_squeeze %gather3A_383 : memref<1x16x128xf32, #tpu.memory_space<vmem>> -> memref<16x128xf32, #tpu.memory_space<vmem>>
      %gather3A_385 = tpu.vector_load_idx %gather3A_384[%iota3A, %broadcast_in_dim3A] : memref<16x128xf32, #tpu.memory_space<vmem>>[vector<16xi32>, vector<16xi32>], vector<16xf32>,
      %mul3A_386 = arith.constant 16 : i32
      %mul3A_387 = arith.muli %add3A_361, %mul3A_386 : i32
      %swap3A = arith.index_cast %mul3A_387 : i32 to index
      %swap3A_388 = tpu.vector_load %arg7[%swap3A] {strides = array<i32>} : memref<8192xf32, #tpu.memory_space<vmem>>, vector<16xf32>,
      tpu.vector_store %arg7[%swap3A], %gather3A_385 {strides = array<i32>} : memref<8192xf32, #tpu.memory_space<vmem>>, vector<16xf32>,
      %add3A_389 = arith.constant 16 : i32
      %add3A_390 = arith.addi %add3A_361, %add3A_389 : i32
      %lt3A = arith.constant 512 : i32
      %lt3A_391 = arith.cmpi slt, %add3A_390, %lt3A : i32
      %convert_element_type3A = arith.extui %lt3A_391 : i1 to i32
      %cond3A = arith.constant 0 : i32
      %cond3A_392 = arith.cmpi ne, %convert_element_type3A, %cond3A : i32
      scf.if %cond3A_392 {
        %add3A_1039 = arith.constant 16 : i32
        %add3A_1040 = arith.addi %add3A_361, %add3A_1039 : i32
        %get3A_1041 = arith.index_cast %add3A_1040 : i32 to index
        %get3A_1042 = tpu.vector_load %arg5[%get3A_1041] {strides = array<i32>} : memref<528xi32, #tpu.memory_space<vmem>>, vector<16xi32>,
        %slice3A_1043 = vector.extract_strided_slice %get3A_1042 {offsets = [0], sizes = [1], strides = [1]} : vector<16xi32> to vector<1xi32>
        %squeeze3A_1044 = vector.extract %slice3A_1043[0] : i32 from vector<1xi32>
        %shift_right_arithmetic3A_1045 = arith.constant 7 : i32
        %shift_right_arithmetic3A_1046 = arith.shrsi %squeeze3A_1044, %shift_right_arithmetic3A_1045 : i32
        %shift_left3A_1047 = arith.constant 7 : i32
        %shift_left3A_1048 = arith.shli %shift_right_arithmetic3A_1046, %shift_left3A_1047 : i32
        %multiple_of3A_1049 = tpu.assume_multiple %shift_left3A_1048, 128 : i32
        %dma_start3A_1050 = arith.constant 0 : i32
        %dma_start3A_1051 = arith.constant 0 : i32
        %dma_start3A_1052 = arith.constant 0 : i32
        %dma_start3A_1053 = tpu.memref_slice %arg6[%dma_start3A_1050, %dma_start3A_1051, %dma_start3A_1052] : memref<16x16x128xf32, #tpu.memory_space<vmem>> -> memref<1x16x128xf32, #tpu.memory_space<vmem>>
        %dma_start3A_1054 = tpu.memref_squeeze %dma_start3A_1053 : memref<1x16x128xf32, #tpu.memory_space<vmem>> -> memref<16x128xf32, #tpu.memory_space<vmem>>
        %dma_start3A_1055 = arith.constant 0 : i32
        %dma_start3A_1056 = tpu.memref_slice %arg3[%dma_start3A_1055, %multiple_of3A_1049] : memref<16x1000000xf32, #tpu.memory_space<hbm>> -> memref<16x128xf32, #tpu.memory_space<hbm>>
        %dma_start3A_1057 = arith.constant 0 : i32
        %dma_start3A_1058 = arith.constant 0 : i32
        %dma_start3A_1059 = tpu.memref_slice %arg6[%dma_start3A_1050, %dma_start3A_1057, %dma_start3A_1058] : memref<16x16x128xf32, #tpu.memory_space<vmem>> -> memref<1x16x128xf32, #tpu.memory_space<vmem>>
        %dma_start3A_1060 = tpu.memref_squeeze %dma_start3A_1059 : memref<1x16x128xf32, #tpu.memory_space<vmem>> -> memref<16x128xf32, #tpu.memory_space<vmem>>
        %dma_start3A_1061 = arith.constant 0 : i32
        %dma_start3A_1062 = tpu.memref_slice %arg3[%dma_start3A_1061, %multiple_of3A_1049] : memref<16x1000000xf32, #tpu.memory_space<hbm>> -> memref<16x128xf32, #tpu.memory_space<hbm>>
        tpu.enqueue_dma source(%dma_start3A_1062 : memref<16x128xf32, #tpu.memory_space<hbm>>) target(%dma_start3A_1060 : memref<16x128xf32, #tpu.memory_space<vmem>>) target_semaphore(%arg8 : memref<!tpu.dma_semaphore, #tpu.memory_space<semaphore_mem>>)
      } else {
      }
      %mul3A_393 = arith.constant 16 : i32
      %mul3A_394 = arith.muli %scan3A_356, %mul3A_393 : i32
      %add3A_395 = arith.constant 1 : i32
      %add3A_396 = arith.addi %mul3A_394, %add3A_395 : i32
      %dma_wait3A_397 = arith.constant 1 : i32
      %dma_wait3A_398 = arith.constant 0 : i32
      %dma_wait3A_399 = arith.constant 0 : i32
      %dma_wait3A_400 = tpu.memref_slice %arg6[%dma_wait3A_397, %dma_wait3A_398, %dma_wait3A_399] : memref<16x16x128xf32, #tpu.memory_space<vmem>> -> memref<1x16x128xf32, #tpu.memory_space<vmem>>
      %dma_wait3A_401 = tpu.memref_squeeze %dma_wait3A_400 : memref<1x16x128xf32, #tpu.memory_space<vmem>> -> memref<16x128xf32, #tpu.memory_space<vmem>>
      %dma_wait3A_402 = arith.constant 0 : i32
      %dma_wait3A_403 = arith.constant 0 : i32
      %dma_wait3A_404 = tpu.memref_slice %arg3[%dma_wait3A_402, %dma_wait3A_403] : memref<16x1000000xf32, #tpu.memory_space<hbm>> -> memref<16x128xf32, #tpu.memory_space<hbm>>
      %dma_wait3A_405 = arith.constant 0 : i32
      %dma_wait3A_406 = arith.constant 0 : i32
      %dma_wait3A_407 = tpu.memref_slice %arg6[%dma_wait3A_397, %dma_wait3A_405, %dma_wait3A_406] : memref<16x16x128xf32, #tpu.memory_space<vmem>> -> memref<1x16x128xf32, #tpu.memory_space<vmem>>
      %dma_wait3A_408 = tpu.memref_squeeze %dma_wait3A_407 : memref<1x16x128xf32, #tpu.memory_space<vmem>> -> memref<16x128xf32, #tpu.memory_space<vmem>>
      %dma_wait3A_409 = arith.constant 0 : i32
      %dma_wait3A_410 = arith.constant 0 : i32
      %dma_wait3A_411 = tpu.memref_slice %arg3[%dma_wait3A_409, %dma_wait3A_410] : memref<16x1000000xf32, #tpu.memory_space<hbm>> -> memref<16x128xf32, #tpu.memory_space<hbm>>
      tpu.wait_dma2 semaphore(%arg9 : memref<!tpu.dma_semaphore, #tpu.memory_space<semaphore_mem>>) src(%dma_wait3A_411 : memref<16x128xf32, #tpu.memory_space<hbm>>) dst(%dma_wait3A_408 : memref<16x128xf32, #tpu.memory_space<vmem>>)
      %get3A_412 = arith.index_cast %add3A_396 : i32 to index
      %get3A_413 = tpu.vector_load %arg5[%get3A_412] {strides = array<i32>} : memref<528xi32, #tpu.memory_space<vmem>>, vector<16xi32>,
      %slice3A_414 = vector.extract_strided_slice %get3A_413 {offsets = [0], sizes = [1], strides = [1]} : vector<16xi32> to vector<1xi32>
      %squeeze3A_415 = vector.extract %slice3A_414[0] : i32 from vector<1xi32>
      %and3A_416 = arith.constant 127 : i32
      %and3A_417 = arith.andi %squeeze3A_415, %and3A_416 : i32
      %broadcast_in_dim3A_418 = vector.broadcast %and3A_417 : i32 to vector<16xi32>
      %gather3A_419 = arith.constant 1 : i32
      %gather3A_420 = arith.constant 0 : i32
      %gather3A_421 = arith.constant 0 : i32
      %gather3A_422 = tpu.memref_slice %arg6[%gather3A_419, %gather3A_420, %gather3A_421] : memref<16x16x128xf32, #tpu.memory_space<vmem>> -> memref<1x16x128xf32, #tpu.memory_space<vmem>>
      %gather3A_423 = tpu.memref_squeeze %gather3A_422 : memref<1x16x128xf32, #tpu.memory_space<vmem>> -> memref<16x128xf32, #tpu.memory_space<vmem>>
      %gather3A_424 = tpu.vector_load_idx %gather3A_423[%iota3A, %broadcast_in_dim3A_418] : memref<16x128xf32, #tpu.memory_space<vmem>>[vector<16xi32>, vector<16xi32>], vector<16xf32>,
      %mul3A_425 = arith.constant 16 : i32
      %mul3A_426 = arith.muli %add3A_396, %mul3A_425 : i32
      %swap3A_427 = arith.index_cast %mul3A_426 : i32 to index
      %swap3A_428 = tpu.vector_load %arg7[%swap3A_427] {strides = array<i32>} : memref<8192xf32, #tpu.memory_space<vmem>>, vector<16xf32>,
      tpu.vector_store %arg7[%swap3A_427], %gather3A_424 {strides = array<i32>} : memref<8192xf32, #tpu.memory_space<vmem>>, vector<16xf32>,
      %add3A_429 = arith.constant 16 : i32
      %add3A_430 = arith.addi %add3A_396, %add3A_429 : i32
      %lt3A_431 = arith.constant 512 : i32
      %lt3A_432 = arith.cmpi slt, %add3A_430, %lt3A_431 : i32
      %convert_element_type3A_433 = arith.extui %lt3A_432 : i1 to i32
      %cond3A_434 = arith.constant 0 : i32
      %cond3A_435 = arith.cmpi ne, %convert_element_type3A_433, %cond3A_434 : i32
      scf.if %cond3A_435 {
        %add3A_1039 = arith.constant 16 : i32
        %add3A_1040 = arith.addi %add3A_396, %add3A_1039 : i32
        %get3A_1041 = arith.index_cast %add3A_1040 : i32 to index
        %get3A_1042 = tpu.vector_load %arg5[%get3A_1041] {strides = array<i32>} : memref<528xi32, #tpu.memory_space<vmem>>, vector<16xi32>,
        %slice3A_1043 = vector.extract_strided_slice %get3A_1042 {offsets = [0], sizes = [1], strides = [1]} : vector<16xi32> to vector<1xi32>
        %squeeze3A_1044 = vector.extract %slice3A_1043[0] : i32 from vector<1xi32>
        %shift_right_arithmetic3A_1045 = arith.constant 7 : i32
        %shift_right_arithmetic3A_1046 = arith.shrsi %squeeze3A_1044, %shift_right_arithmetic3A_1045 : i32
        %shift_left3A_1047 = arith.constant 7 : i32
        %shift_left3A_1048 = arith.shli %shift_right_arithmetic3A_1046, %shift_left3A_1047 : i32
        %multiple_of3A_1049 = tpu.assume_multiple %shift_left3A_1048, 128 : i32
        %dma_start3A_1050 = arith.constant 1 : i32
        %dma_start3A_1051 = arith.constant 0 : i32
        %dma_start3A_1052 = arith.constant 0 : i32
        %dma_start3A_1053 = tpu.memref_slice %arg6[%dma_start3A_1050, %dma_start3A_1051, %dma_start3A_1052] : memref<16x16x128xf32, #tpu.memory_space<vmem>> -> memref<1x16x128xf32, #tpu.memory_space<vmem>>
        %dma_start3A_1054 = tpu.memref_squeeze %dma_start3A_1053 : memref<1x16x128xf32, #tpu.memory_space<vmem>> -> memref<16x128xf32, #tpu.memory_space<vmem>>
        %dma_start3A_1055 = arith.constant 0 : i32
        %dma_start3A_1056 = tpu.memref_slice %arg3[%dma_start3A_1055, %multiple_of3A_1049] : memref<16x1000000xf32, #tpu.memory_space<hbm>> -> memref<16x128xf32, #tpu.memory_space<hbm>>
        %dma_start3A_1057 = arith.constant 0 : i32
        %dma_start3A_1058 = arith.constant 0 : i32
        %dma_start3A_1059 = tpu.memref_slice %arg6[%dma_start3A_1050, %dma_start3A_1057, %dma_start3A_1058] : memref<16x16x128xf32, #tpu.memory_space<vmem>> -> memref<1x16x128xf32, #tpu.memory_space<vmem>>
        %dma_start3A_1060 = tpu.memref_squeeze %dma_start3A_1059 : memref<1x16x128xf32, #tpu.memory_space<vmem>> -> memref<16x128xf32, #tpu.memory_space<vmem>>
        %dma_start3A_1061 = arith.constant 0 : i32
        %dma_start3A_1062 = tpu.memref_slice %arg3[%dma_start3A_1061, %multiple_of3A_1049] : memref<16x1000000xf32, #tpu.memory_space<hbm>> -> memref<16x128xf32, #tpu.memory_space<hbm>>
        tpu.enqueue_dma source(%dma_start3A_1062 : memref<16x128xf32, #tpu.memory_space<hbm>>) target(%dma_start3A_1060 : memref<16x128xf32, #tpu.memory_space<vmem>>) target_semaphore(%arg9 : memref<!tpu.dma_semaphore, #tpu.memory_space<semaphore_mem>>)
      } else {
      }
      %mul3A_436 = arith.constant 16 : i32
      %mul3A_437 = arith.muli %scan3A_356, %mul3A_436 : i32
      %add3A_438 = arith.constant 2 : i32
      %add3A_439 = arith.addi %mul3A_437, %add3A_438 : i32
      %dma_wait3A_440 = arith.constant 2 : i32
      %dma_wait3A_441 = arith.constant 0 : i32
      %dma_wait3A_442 = arith.constant 0 : i32
      %dma_wait3A_443 = tpu.memref_slice %arg6[%dma_wait3A_440, %dma_wait3A_441, %dma_wait3A_442] : memref<16x16x128xf32, #tpu.memory_space<vmem>> -> memref<1x16x128xf32, #tpu.memory_space<vmem>>
      %dma_wait3A_444 = tpu.memref_squeeze %dma_wait3A_443 : memref<1x16x128xf32, #tpu.memory_space<vmem>> -> memref<16x128xf32, #tpu.memory_space<vmem>>
      %dma_wait3A_445 = arith.constant 0 : i32
      %dma_wait3A_446 = arith.constant 0 : i32
      %dma_wait3A_447 = tpu.memref_slice %arg3[%dma_wait3A_445, %dma_wait3A_446] : memref<16x1000000xf32, #tpu.memory_space<hbm>> -> memref<16x128xf32, #tpu.memory_space<hbm>>
      %dma_wait3A_448 = arith.constant 0 : i32
      %dma_wait3A_449 = arith.constant 0 : i32
      %dma_wait3A_450 = tpu.memref_slice %arg6[%dma_wait3A_440, %dma_wait3A_448, %dma_wait3A_449] : memref<16x16x128xf32, #tpu.memory_space<vmem>> -> memref<1x16x128xf32, #tpu.memory_space<vmem>>
      %dma_wait3A_451 = tpu.memref_squeeze %dma_wait3A_450 : memref<1x16x128xf32, #tpu.memory_space<vmem>> -> memref<16x128xf32, #tpu.memory_space<vmem>>
      %dma_wait3A_452 = arith.constant 0 : i32
      %dma_wait3A_453 = arith.constant 0 : i32
      %dma_wait3A_454 = tpu.memref_slice %arg3[%dma_wait3A_452, %dma_wait3A_453] : memref<16x1000000xf32, #tpu.memory_space<hbm>> -> memref<16x128xf32, #tpu.memory_space<hbm>>
      tpu.wait_dma2 semaphore(%arg10 : memref<!tpu.dma_semaphore, #tpu.memory_space<semaphore_mem>>) src(%dma_wait3A_454 : memref<16x128xf32, #tpu.memory_space<hbm>>) dst(%dma_wait3A_451 : memref<16x128xf32, #tpu.memory_space<vmem>>)
      %get3A_455 = arith.index_cast %add3A_439 : i32 to index
      %get3A_456 = tpu.vector_load %arg5[%get3A_455] {strides = array<i32>} : memref<528xi32, #tpu.memory_space<vmem>>, vector<16xi32>,
      %slice3A_457 = vector.extract_strided_slice %get3A_456 {offsets = [0], sizes = [1], strides = [1]} : vector<16xi32> to vector<1xi32>
      %squeeze3A_458 = vector.extract %slice3A_457[0] : i32 from vector<1xi32>
      %and3A_459 = arith.constant 127 : i32
      %and3A_460 = arith.andi %squeeze3A_458, %and3A_459 : i32
      %broadcast_in_dim3A_461 = vector.broadcast %and3A_460 : i32 to vector<16xi32>
      %gather3A_462 = arith.constant 2 : i32
      %gather3A_463 = arith.constant 0 : i32
      %gather3A_464 = arith.constant 0 : i32
      %gather3A_465 = tpu.memref_slice %arg6[%gather3A_462, %gather3A_463, %gather3A_464] : memref<16x16x128xf32, #tpu.memory_space<vmem>> -> memref<1x16x128xf32, #tpu.memory_space<vmem>>
      %gather3A_466 = tpu.memref_squeeze %gather3A_465 : memref<1x16x128xf32, #tpu.memory_space<vmem>> -> memref<16x128xf32, #tpu.memory_space<vmem>>
      %gather3A_467 = tpu.vector_load_idx %gather3A_466[%iota3A, %broadcast_in_dim3A_461] : memref<16x128xf32, #tpu.memory_space<vmem>>[vector<16xi32>, vector<16xi32>], vector<16xf32>,
      %mul3A_468 = arith.constant 16 : i32
      %mul3A_469 = arith.muli %add3A_439, %mul3A_468 : i32
      %swap3A_470 = arith.index_cast %mul3A_469 : i32 to index
      %swap3A_471 = tpu.vector_load %arg7[%swap3A_470] {strides = array<i32>} : memref<8192xf32, #tpu.memory_space<vmem>>, vector<16xf32>,
      tpu.vector_store %arg7[%swap3A_470], %gather3A_467 {strides = array<i32>} : memref<8192xf32, #tpu.memory_space<vmem>>, vector<16xf32>,
      %add3A_472 = arith.constant 16 : i32
      %add3A_473 = arith.addi %add3A_439, %add3A_472 : i32
      %lt3A_474 = arith.constant 512 : i32
      %lt3A_475 = arith.cmpi slt, %add3A_473, %lt3A_474 : i32
      %convert_element_type3A_476 = arith.extui %lt3A_475 : i1 to i32
      %cond3A_477 = arith.constant 0 : i32
      %cond3A_478 = arith.cmpi ne, %convert_element_type3A_476, %cond3A_477 : i32
      scf.if %cond3A_478 {
        %add3A_1039 = arith.constant 16 : i32
        %add3A_1040 = arith.addi %add3A_439, %add3A_1039 : i32
        %get3A_1041 = arith.index_cast %add3A_1040 : i32 to index
        %get3A_1042 = tpu.vector_load %arg5[%get3A_1041] {strides = array<i32>} : memref<528xi32, #tpu.memory_space<vmem>>, vector<16xi32>,
        %slice3A_1043 = vector.extract_strided_slice %get3A_1042 {offsets = [0], sizes = [1], strides = [1]} : vector<16xi32> to vector<1xi32>
        %squeeze3A_1044 = vector.extract %slice3A_1043[0] : i32 from vector<1xi32>
        %shift_right_arithmetic3A_1045 = arith.constant 7 : i32
        %shift_right_arithmetic3A_1046 = arith.shrsi %squeeze3A_1044, %shift_right_arithmetic3A_1045 : i32
        %shift_left3A_1047 = arith.constant 7 : i32
        %shift_left3A_1048 = arith.shli %shift_right_arithmetic3A_1046, %shift_left3A_1047 : i32
        %multiple_of3A_1049 = tpu.assume_multiple %shift_left3A_1048, 128 : i32
        %dma_start3A_1050 = arith.constant 2 : i32
        %dma_start3A_1051 = arith.constant 0 : i32
        %dma_start3A_1052 = arith.constant 0 : i32
        %dma_start3A_1053 = tpu.memref_slice %arg6[%dma_start3A_1050, %dma_start3A_1051, %dma_start3A_1052] : memref<16x16x128xf32, #tpu.memory_space<vmem>> -> memref<1x16x128xf32, #tpu.memory_space<vmem>>
        %dma_start3A_1054 = tpu.memref_squeeze %dma_start3A_1053 : memref<1x16x128xf32, #tpu.memory_space<vmem>> -> memref<16x128xf32, #tpu.memory_space<vmem>>
        %dma_start3A_1055 = arith.constant 0 : i32
        %dma_start3A_1056 = tpu.memref_slice %arg3[%dma_start3A_1055, %multiple_of3A_1049] : memref<16x1000000xf32, #tpu.memory_space<hbm>> -> memref<16x128xf32, #tpu.memory_space<hbm>>
        %dma_start3A_1057 = arith.constant 0 : i32
        %dma_start3A_1058 = arith.constant 0 : i32
        %dma_start3A_1059 = tpu.memref_slice %arg6[%dma_start3A_1050, %dma_start3A_1057, %dma_start3A_1058] : memref<16x16x128xf32, #tpu.memory_space<vmem>> -> memref<1x16x128xf32, #tpu.memory_space<vmem>>
        %dma_start3A_1060 = tpu.memref_squeeze %dma_start3A_1059 : memref<1x16x128xf32, #tpu.memory_space<vmem>> -> memref<16x128xf32, #tpu.memory_space<vmem>>
        %dma_start3A_1061 = arith.constant 0 : i32
        %dma_start3A_1062 = tpu.memref_slice %arg3[%dma_start3A_1061, %multiple_of3A_1049] : memref<16x1000000xf32, #tpu.memory_space<hbm>> -> memref<16x128xf32, #tpu.memory_space<hbm>>
        tpu.enqueue_dma source(%dma_start3A_1062 : memref<16x128xf32, #tpu.memory_space<hbm>>) target(%dma_start3A_1060 : memref<16x128xf32, #tpu.memory_space<vmem>>) target_semaphore(%arg10 : memref<!tpu.dma_semaphore, #tpu.memory_space<semaphore_mem>>)
      } else {
      }
      %mul3A_479 = arith.constant 16 : i32
      %mul3A_480 = arith.muli %scan3A_356, %mul3A_479 : i32
      %add3A_481 = arith.constant 3 : i32
      %add3A_482 = arith.addi %mul3A_480, %add3A_481 : i32
      %dma_wait3A_483 = arith.constant 3 : i32
      %dma_wait3A_484 = arith.constant 0 : i32
      %dma_wait3A_485 = arith.constant 0 : i32
      %dma_wait3A_486 = tpu.memref_slice %arg6[%dma_wait3A_483, %dma_wait3A_484, %dma_wait3A_485] : memref<16x16x128xf32, #tpu.memory_space<vmem>> -> memref<1x16x128xf32, #tpu.memory_space<vmem>>
      %dma_wait3A_487 = tpu.memref_squeeze %dma_wait3A_486 : memref<1x16x128xf32, #tpu.memory_space<vmem>> -> memref<16x128xf32, #tpu.memory_space<vmem>>
      %dma_wait3A_488 = arith.constant 0 : i32
      %dma_wait3A_489 = arith.constant 0 : i32
      %dma_wait3A_490 = tpu.memref_slice %arg3[%dma_wait3A_488, %dma_wait3A_489] : memref<16x1000000xf32, #tpu.memory_space<hbm>> -> memref<16x128xf32, #tpu.memory_space<hbm>>
      %dma_wait3A_491 = arith.constant 0 : i32
      %dma_wait3A_492 = arith.constant 0 : i32
      %dma_wait3A_493 = tpu.memref_slice %arg6[%dma_wait3A_483, %dma_wait3A_491, %dma_wait3A_492] : memref<16x16x128xf32, #tpu.memory_space<vmem>> -> memref<1x16x128xf32, #tpu.memory_space<vmem>>
      %dma_wait3A_494 = tpu.memref_squeeze %dma_wait3A_493 : memref<1x16x128xf32, #tpu.memory_space<vmem>> -> memref<16x128xf32, #tpu.memory_space<vmem>>
      %dma_wait3A_495 = arith.constant 0 : i32
      %dma_wait3A_496 = arith.constant 0 : i32
      %dma_wait3A_497 = tpu.memref_slice %arg3[%dma_wait3A_495, %dma_wait3A_496] : memref<16x1000000xf32, #tpu.memory_space<hbm>> -> memref<16x128xf32, #tpu.memory_space<hbm>>
      tpu.wait_dma2 semaphore(%arg11 : memref<!tpu.dma_semaphore, #tpu.memory_space<semaphore_mem>>) src(%dma_wait3A_497 : memref<16x128xf32, #tpu.memory_space<hbm>>) dst(%dma_wait3A_494 : memref<16x128xf32, #tpu.memory_space<vmem>>)
      %get3A_498 = arith.index_cast %add3A_482 : i32 to index
      %get3A_499 = tpu.vector_load %arg5[%get3A_498] {strides = array<i32>} : memref<528xi32, #tpu.memory_space<vmem>>, vector<16xi32>,
      %slice3A_500 = vector.extract_strided_slice %get3A_499 {offsets = [0], sizes = [1], strides = [1]} : vector<16xi32> to vector<1xi32>
      %squeeze3A_501 = vector.extract %slice3A_500[0] : i32 from vector<1xi32>
      %and3A_502 = arith.constant 127 : i32
      %and3A_503 = arith.andi %squeeze3A_501, %and3A_502 : i32
      %broadcast_in_dim3A_504 = vector.broadcast %and3A_503 : i32 to vector<16xi32>
      %gather3A_505 = arith.constant 3 : i32
      %gather3A_506 = arith.constant 0 : i32
      %gather3A_507 = arith.constant 0 : i32
      %gather3A_508 = tpu.memref_slice %arg6[%gather3A_505, %gather3A_506, %gather3A_507] : memref<16x16x128xf32, #tpu.memory_space<vmem>> -> memref<1x16x128xf32, #tpu.memory_space<vmem>>
      %gather3A_509 = tpu.memref_squeeze %gather3A_508 : memref<1x16x128xf32, #tpu.memory_space<vmem>> -> memref<16x128xf32, #tpu.memory_space<vmem>>
      %gather3A_510 = tpu.vector_load_idx %gather3A_509[%iota3A, %broadcast_in_dim3A_504] : memref<16x128xf32, #tpu.memory_space<vmem>>[vector<16xi32>, vector<16xi32>], vector<16xf32>,
      %mul3A_511 = arith.constant 16 : i32
      %mul3A_512 = arith.muli %add3A_482, %mul3A_511 : i32
      %swap3A_513 = arith.index_cast %mul3A_512 : i32 to index
      %swap3A_514 = tpu.vector_load %arg7[%swap3A_513] {strides = array<i32>} : memref<8192xf32, #tpu.memory_space<vmem>>, vector<16xf32>,
      tpu.vector_store %arg7[%swap3A_513], %gather3A_510 {strides = array<i32>} : memref<8192xf32, #tpu.memory_space<vmem>>, vector<16xf32>,
      %add3A_515 = arith.constant 16 : i32
      %add3A_516 = arith.addi %add3A_482, %add3A_515 : i32
      %lt3A_517 = arith.constant 512 : i32
      %lt3A_518 = arith.cmpi slt, %add3A_516, %lt3A_517 : i32
      %convert_element_type3A_519 = arith.extui %lt3A_518 : i1 to i32
      %cond3A_520 = arith.constant 0 : i32
      %cond3A_521 = arith.cmpi ne, %convert_element_type3A_519, %cond3A_520 : i32
      scf.if %cond3A_521 {
        %add3A_1039 = arith.constant 16 : i32
        %add3A_1040 = arith.addi %add3A_482, %add3A_1039 : i32
        %get3A_1041 = arith.index_cast %add3A_1040 : i32 to index
        %get3A_1042 = tpu.vector_load %arg5[%get3A_1041] {strides = array<i32>} : memref<528xi32, #tpu.memory_space<vmem>>, vector<16xi32>,
        %slice3A_1043 = vector.extract_strided_slice %get3A_1042 {offsets = [0], sizes = [1], strides = [1]} : vector<16xi32> to vector<1xi32>
        %squeeze3A_1044 = vector.extract %slice3A_1043[0] : i32 from vector<1xi32>
        %shift_right_arithmetic3A_1045 = arith.constant 7 : i32
        %shift_right_arithmetic3A_1046 = arith.shrsi %squeeze3A_1044, %shift_right_arithmetic3A_1045 : i32
        %shift_left3A_1047 = arith.constant 7 : i32
        %shift_left3A_1048 = arith.shli %shift_right_arithmetic3A_1046, %shift_left3A_1047 : i32
        %multiple_of3A_1049 = tpu.assume_multiple %shift_left3A_1048, 128 : i32
        %dma_start3A_1050 = arith.constant 3 : i32
        %dma_start3A_1051 = arith.constant 0 : i32
        %dma_start3A_1052 = arith.constant 0 : i32
        %dma_start3A_1053 = tpu.memref_slice %arg6[%dma_start3A_1050, %dma_start3A_1051, %dma_start3A_1052] : memref<16x16x128xf32, #tpu.memory_space<vmem>> -> memref<1x16x128xf32, #tpu.memory_space<vmem>>
        %dma_start3A_1054 = tpu.memref_squeeze %dma_start3A_1053 : memref<1x16x128xf32, #tpu.memory_space<vmem>> -> memref<16x128xf32, #tpu.memory_space<vmem>>
        %dma_start3A_1055 = arith.constant 0 : i32
        %dma_start3A_1056 = tpu.memref_slice %arg3[%dma_start3A_1055, %multiple_of3A_1049] : memref<16x1000000xf32, #tpu.memory_space<hbm>> -> memref<16x128xf32, #tpu.memory_space<hbm>>
        %dma_start3A_1057 = arith.constant 0 : i32
        %dma_start3A_1058 = arith.constant 0 : i32
        %dma_start3A_1059 = tpu.memref_slice %arg6[%dma_start3A_1050, %dma_start3A_1057, %dma_start3A_1058] : memref<16x16x128xf32, #tpu.memory_space<vmem>> -> memref<1x16x128xf32, #tpu.memory_space<vmem>>
        %dma_start3A_1060 = tpu.memref_squeeze %dma_start3A_1059 : memref<1x16x128xf32, #tpu.memory_space<vmem>> -> memref<16x128xf32, #tpu.memory_space<vmem>>
        %dma_start3A_1061 = arith.constant 0 : i32
        %dma_start3A_1062 = tpu.memref_slice %arg3[%dma_start3A_1061, %multiple_of3A_1049] : memref<16x1000000xf32, #tpu.memory_space<hbm>> -> memref<16x128xf32, #tpu.memory_space<hbm>>
        tpu.enqueue_dma source(%dma_start3A_1062 : memref<16x128xf32, #tpu.memory_space<hbm>>) target(%dma_start3A_1060 : memref<16x128xf32, #tpu.memory_space<vmem>>) target_semaphore(%arg11 : memref<!tpu.dma_semaphore, #tpu.memory_space<semaphore_mem>>)
      } else {
      }
      %mul3A_522 = arith.constant 16 : i32
      %mul3A_523 = arith.muli %scan3A_356, %mul3A_522 : i32
      %add3A_524 = arith.constant 4 : i32
      %add3A_525 = arith.addi %mul3A_523, %add3A_524 : i32
      %dma_wait3A_526 = arith.constant 4 : i32
      %dma_wait3A_527 = arith.constant 0 : i32
      %dma_wait3A_528 = arith.constant 0 : i32
      %dma_wait3A_529 = tpu.memref_slice %arg6[%dma_wait3A_526, %dma_wait3A_527, %dma_wait3A_528] : memref<16x16x128xf32, #tpu.memory_space<vmem>> -> memref<1x16x128xf32, #tpu.memory_space<vmem>>
      %dma_wait3A_530 = tpu.memref_squeeze %dma_wait3A_529 : memref<1x16x128xf32, #tpu.memory_space<vmem>> -> memref<16x128xf32, #tpu.memory_space<vmem>>
      %dma_wait3A_531 = arith.constant 0 : i32
      %dma_wait3A_532 = arith.constant 0 : i32
      %dma_wait3A_533 = tpu.memref_slice %arg3[%dma_wait3A_531, %dma_wait3A_532] : memref<16x1000000xf32, #tpu.memory_space<hbm>> -> memref<16x128xf32, #tpu.memory_space<hbm>>
      %dma_wait3A_534 = arith.constant 0 : i32
      %dma_wait3A_535 = arith.constant 0 : i32
      %dma_wait3A_536 = tpu.memref_slice %arg6[%dma_wait3A_526, %dma_wait3A_534, %dma_wait3A_535] : memref<16x16x128xf32, #tpu.memory_space<vmem>> -> memref<1x16x128xf32, #tpu.memory_space<vmem>>
      %dma_wait3A_537 = tpu.memref_squeeze %dma_wait3A_536 : memref<1x16x128xf32, #tpu.memory_space<vmem>> -> memref<16x128xf32, #tpu.memory_space<vmem>>
      %dma_wait3A_538 = arith.constant 0 : i32
      %dma_wait3A_539 = arith.constant 0 : i32
      %dma_wait3A_540 = tpu.memref_slice %arg3[%dma_wait3A_538, %dma_wait3A_539] : memref<16x1000000xf32, #tpu.memory_space<hbm>> -> memref<16x128xf32, #tpu.memory_space<hbm>>
      tpu.wait_dma2 semaphore(%arg12 : memref<!tpu.dma_semaphore, #tpu.memory_space<semaphore_mem>>) src(%dma_wait3A_540 : memref<16x128xf32, #tpu.memory_space<hbm>>) dst(%dma_wait3A_537 : memref<16x128xf32, #tpu.memory_space<vmem>>)
      %get3A_541 = arith.index_cast %add3A_525 : i32 to index
      %get3A_542 = tpu.vector_load %arg5[%get3A_541] {strides = array<i32>} : memref<528xi32, #tpu.memory_space<vmem>>, vector<16xi32>,
      %slice3A_543 = vector.extract_strided_slice %get3A_542 {offsets = [0], sizes = [1], strides = [1]} : vector<16xi32> to vector<1xi32>
      %squeeze3A_544 = vector.extract %slice3A_543[0] : i32 from vector<1xi32>
      %and3A_545 = arith.constant 127 : i32
      %and3A_546 = arith.andi %squeeze3A_544, %and3A_545 : i32
      %broadcast_in_dim3A_547 = vector.broadcast %and3A_546 : i32 to vector<16xi32>
      %gather3A_548 = arith.constant 4 : i32
      %gather3A_549 = arith.constant 0 : i32
      %gather3A_550 = arith.constant 0 : i32
      %gather3A_551 = tpu.memref_slice %arg6[%gather3A_548, %gather3A_549, %gather3A_550] : memref<16x16x128xf32, #tpu.memory_space<vmem>> -> memref<1x16x128xf32, #tpu.memory_space<vmem>>
      %gather3A_552 = tpu.memref_squeeze %gather3A_551 : memref<1x16x128xf32, #tpu.memory_space<vmem>> -> memref<16x128xf32, #tpu.memory_space<vmem>>
      %gather3A_553 = tpu.vector_load_idx %gather3A_552[%iota3A, %broadcast_in_dim3A_547] : memref<16x128xf32, #tpu.memory_space<vmem>>[vector<16xi32>, vector<16xi32>], vector<16xf32>,
      %mul3A_554 = arith.constant 16 : i32
      %mul3A_555 = arith.muli %add3A_525, %mul3A_554 : i32
      %swap3A_556 = arith.index_cast %mul3A_555 : i32 to index
      %swap3A_557 = tpu.vector_load %arg7[%swap3A_556] {strides = array<i32>} : memref<8192xf32, #tpu.memory_space<vmem>>, vector<16xf32>,
      tpu.vector_store %arg7[%swap3A_556], %gather3A_553 {strides = array<i32>} : memref<8192xf32, #tpu.memory_space<vmem>>, vector<16xf32>,
      %add3A_558 = arith.constant 16 : i32
      %add3A_559 = arith.addi %add3A_525, %add3A_558 : i32
      %lt3A_560 = arith.constant 512 : i32
      %lt3A_561 = arith.cmpi slt, %add3A_559, %lt3A_560 : i32
      %convert_element_type3A_562 = arith.extui %lt3A_561 : i1 to i32
      %cond3A_563 = arith.constant 0 : i32
      %cond3A_564 = arith.cmpi ne, %convert_element_type3A_562, %cond3A_563 : i32
      scf.if %cond3A_564 {
        %add3A_1039 = arith.constant 16 : i32
        %add3A_1040 = arith.addi %add3A_525, %add3A_1039 : i32
        %get3A_1041 = arith.index_cast %add3A_1040 : i32 to index
        %get3A_1042 = tpu.vector_load %arg5[%get3A_1041] {strides = array<i32>} : memref<528xi32, #tpu.memory_space<vmem>>, vector<16xi32>,
        %slice3A_1043 = vector.extract_strided_slice %get3A_1042 {offsets = [0], sizes = [1], strides = [1]} : vector<16xi32> to vector<1xi32>
        %squeeze3A_1044 = vector.extract %slice3A_1043[0] : i32 from vector<1xi32>
        %shift_right_arithmetic3A_1045 = arith.constant 7 : i32
        %shift_right_arithmetic3A_1046 = arith.shrsi %squeeze3A_1044, %shift_right_arithmetic3A_1045 : i32
        %shift_left3A_1047 = arith.constant 7 : i32
        %shift_left3A_1048 = arith.shli %shift_right_arithmetic3A_1046, %shift_left3A_1047 : i32
        %multiple_of3A_1049 = tpu.assume_multiple %shift_left3A_1048, 128 : i32
        %dma_start3A_1050 = arith.constant 4 : i32
        %dma_start3A_1051 = arith.constant 0 : i32
        %dma_start3A_1052 = arith.constant 0 : i32
        %dma_start3A_1053 = tpu.memref_slice %arg6[%dma_start3A_1050, %dma_start3A_1051, %dma_start3A_1052] : memref<16x16x128xf32, #tpu.memory_space<vmem>> -> memref<1x16x128xf32, #tpu.memory_space<vmem>>
        %dma_start3A_1054 = tpu.memref_squeeze %dma_start3A_1053 : memref<1x16x128xf32, #tpu.memory_space<vmem>> -> memref<16x128xf32, #tpu.memory_space<vmem>>
        %dma_start3A_1055 = arith.constant 0 : i32
        %dma_start3A_1056 = tpu.memref_slice %arg3[%dma_start3A_1055, %multiple_of3A_1049] : memref<16x1000000xf32, #tpu.memory_space<hbm>> -> memref<16x128xf32, #tpu.memory_space<hbm>>
        %dma_start3A_1057 = arith.constant 0 : i32
        %dma_start3A_1058 = arith.constant 0 : i32
        %dma_start3A_1059 = tpu.memref_slice %arg6[%dma_start3A_1050, %dma_start3A_1057, %dma_start3A_1058] : memref<16x16x128xf32, #tpu.memory_space<vmem>> -> memref<1x16x128xf32, #tpu.memory_space<vmem>>
        %dma_start3A_1060 = tpu.memref_squeeze %dma_start3A_1059 : memref<1x16x128xf32, #tpu.memory_space<vmem>> -> memref<16x128xf32, #tpu.memory_space<vmem>>
        %dma_start3A_1061 = arith.constant 0 : i32
        %dma_start3A_1062 = tpu.memref_slice %arg3[%dma_start3A_1061, %multiple_of3A_1049] : memref<16x1000000xf32, #tpu.memory_space<hbm>> -> memref<16x128xf32, #tpu.memory_space<hbm>>
        tpu.enqueue_dma source(%dma_start3A_1062 : memref<16x128xf32, #tpu.memory_space<hbm>>) target(%dma_start3A_1060 : memref<16x128xf32, #tpu.memory_space<vmem>>) target_semaphore(%arg12 : memref<!tpu.dma_semaphore, #tpu.memory_space<semaphore_mem>>)
      } else {
      }
      %mul3A_565 = arith.constant 16 : i32
      %mul3A_566 = arith.muli %scan3A_356, %mul3A_565 : i32
      %add3A_567 = arith.constant 5 : i32
      %add3A_568 = arith.addi %mul3A_566, %add3A_567 : i32
      %dma_wait3A_569 = arith.constant 5 : i32
      %dma_wait3A_570 = arith.constant 0 : i32
      %dma_wait3A_571 = arith.constant 0 : i32
      %dma_wait3A_572 = tpu.memref_slice %arg6[%dma_wait3A_569, %dma_wait3A_570, %dma_wait3A_571] : memref<16x16x128xf32, #tpu.memory_space<vmem>> -> memref<1x16x128xf32, #tpu.memory_space<vmem>>
      %dma_wait3A_573 = tpu.memref_squeeze %dma_wait3A_572 : memref<1x16x128xf32, #tpu.memory_space<vmem>> -> memref<16x128xf32, #tpu.memory_space<vmem>>
      %dma_wait3A_574 = arith.constant 0 : i32
      %dma_wait3A_575 = arith.constant 0 : i32
      %dma_wait3A_576 = tpu.memref_slice %arg3[%dma_wait3A_574, %dma_wait3A_575] : memref<16x1000000xf32, #tpu.memory_space<hbm>> -> memref<16x128xf32, #tpu.memory_space<hbm>>
      %dma_wait3A_577 = arith.constant 0 : i32
      %dma_wait3A_578 = arith.constant 0 : i32
      %dma_wait3A_579 = tpu.memref_slice %arg6[%dma_wait3A_569, %dma_wait3A_577, %dma_wait3A_578] : memref<16x16x128xf32, #tpu.memory_space<vmem>> -> memref<1x16x128xf32, #tpu.memory_space<vmem>>
      %dma_wait3A_580 = tpu.memref_squeeze %dma_wait3A_579 : memref<1x16x128xf32, #tpu.memory_space<vmem>> -> memref<16x128xf32, #tpu.memory_space<vmem>>
      %dma_wait3A_581 = arith.constant 0 : i32
      %dma_wait3A_582 = arith.constant 0 : i32
      %dma_wait3A_583 = tpu.memref_slice %arg3[%dma_wait3A_581, %dma_wait3A_582] : memref<16x1000000xf32, #tpu.memory_space<hbm>> -> memref<16x128xf32, #tpu.memory_space<hbm>>
      tpu.wait_dma2 semaphore(%arg13 : memref<!tpu.dma_semaphore, #tpu.memory_space<semaphore_mem>>) src(%dma_wait3A_583 : memref<16x128xf32, #tpu.memory_space<hbm>>) dst(%dma_wait3A_580 : memref<16x128xf32, #tpu.memory_space<vmem>>)
      %get3A_584 = arith.index_cast %add3A_568 : i32 to index
      %get3A_585 = tpu.vector_load %arg5[%get3A_584] {strides = array<i32>} : memref<528xi32, #tpu.memory_space<vmem>>, vector<16xi32>,
      %slice3A_586 = vector.extract_strided_slice %get3A_585 {offsets = [0], sizes = [1], strides = [1]} : vector<16xi32> to vector<1xi32>
      %squeeze3A_587 = vector.extract %slice3A_586[0] : i32 from vector<1xi32>
      %and3A_588 = arith.constant 127 : i32
      %and3A_589 = arith.andi %squeeze3A_587, %and3A_588 : i32
      %broadcast_in_dim3A_590 = vector.broadcast %and3A_589 : i32 to vector<16xi32>
      %gather3A_591 = arith.constant 5 : i32
      %gather3A_592 = arith.constant 0 : i32
      %gather3A_593 = arith.constant 0 : i32
      %gather3A_594 = tpu.memref_slice %arg6[%gather3A_591, %gather3A_592, %gather3A_593] : memref<16x16x128xf32, #tpu.memory_space<vmem>> -> memref<1x16x128xf32, #tpu.memory_space<vmem>>
      %gather3A_595 = tpu.memref_squeeze %gather3A_594 : memref<1x16x128xf32, #tpu.memory_space<vmem>> -> memref<16x128xf32, #tpu.memory_space<vmem>>
      %gather3A_596 = tpu.vector_load_idx %gather3A_595[%iota3A, %broadcast_in_dim3A_590] : memref<16x128xf32, #tpu.memory_space<vmem>>[vector<16xi32>, vector<16xi32>], vector<16xf32>,
      %mul3A_597 = arith.constant 16 : i32
      %mul3A_598 = arith.muli %add3A_568, %mul3A_597 : i32
      %swap3A_599 = arith.index_cast %mul3A_598 : i32 to index
      %swap3A_600 = tpu.vector_load %arg7[%swap3A_599] {strides = array<i32>} : memref<8192xf32, #tpu.memory_space<vmem>>, vector<16xf32>,
      tpu.vector_store %arg7[%swap3A_599], %gather3A_596 {strides = array<i32>} : memref<8192xf32, #tpu.memory_space<vmem>>, vector<16xf32>,
      %add3A_601 = arith.constant 16 : i32
      %add3A_602 = arith.addi %add3A_568, %add3A_601 : i32
      %lt3A_603 = arith.constant 512 : i32
      %lt3A_604 = arith.cmpi slt, %add3A_602, %lt3A_603 : i32
      %convert_element_type3A_605 = arith.extui %lt3A_604 : i1 to i32
      %cond3A_606 = arith.constant 0 : i32
      %cond3A_607 = arith.cmpi ne, %convert_element_type3A_605, %cond3A_606 : i32
      scf.if %cond3A_607 {
        %add3A_1039 = arith.constant 16 : i32
        %add3A_1040 = arith.addi %add3A_568, %add3A_1039 : i32
        %get3A_1041 = arith.index_cast %add3A_1040 : i32 to index
        %get3A_1042 = tpu.vector_load %arg5[%get3A_1041] {strides = array<i32>} : memref<528xi32, #tpu.memory_space<vmem>>, vector<16xi32>,
        %slice3A_1043 = vector.extract_strided_slice %get3A_1042 {offsets = [0], sizes = [1], strides = [1]} : vector<16xi32> to vector<1xi32>
        %squeeze3A_1044 = vector.extract %slice3A_1043[0] : i32 from vector<1xi32>
        %shift_right_arithmetic3A_1045 = arith.constant 7 : i32
        %shift_right_arithmetic3A_1046 = arith.shrsi %squeeze3A_1044, %shift_right_arithmetic3A_1045 : i32
        %shift_left3A_1047 = arith.constant 7 : i32
        %shift_left3A_1048 = arith.shli %shift_right_arithmetic3A_1046, %shift_left3A_1047 : i32
        %multiple_of3A_1049 = tpu.assume_multiple %shift_left3A_1048, 128 : i32
        %dma_start3A_1050 = arith.constant 5 : i32
        %dma_start3A_1051 = arith.constant 0 : i32
        %dma_start3A_1052 = arith.constant 0 : i32
        %dma_start3A_1053 = tpu.memref_slice %arg6[%dma_start3A_1050, %dma_start3A_1051, %dma_start3A_1052] : memref<16x16x128xf32, #tpu.memory_space<vmem>> -> memref<1x16x128xf32, #tpu.memory_space<vmem>>
        %dma_start3A_1054 = tpu.memref_squeeze %dma_start3A_1053 : memref<1x16x128xf32, #tpu.memory_space<vmem>> -> memref<16x128xf32, #tpu.memory_space<vmem>>
        %dma_start3A_1055 = arith.constant 0 : i32
        %dma_start3A_1056 = tpu.memref_slice %arg3[%dma_start3A_1055, %multiple_of3A_1049] : memref<16x1000000xf32, #tpu.memory_space<hbm>> -> memref<16x128xf32, #tpu.memory_space<hbm>>
        %dma_start3A_1057 = arith.constant 0 : i32
        %dma_start3A_1058 = arith.constant 0 : i32
        %dma_start3A_1059 = tpu.memref_slice %arg6[%dma_start3A_1050, %dma_start3A_1057, %dma_start3A_1058] : memref<16x16x128xf32, #tpu.memory_space<vmem>> -> memref<1x16x128xf32, #tpu.memory_space<vmem>>
        %dma_start3A_1060 = tpu.memref_squeeze %dma_start3A_1059 : memref<1x16x128xf32, #tpu.memory_space<vmem>> -> memref<16x128xf32, #tpu.memory_space<vmem>>
        %dma_start3A_1061 = arith.constant 0 : i32
        %dma_start3A_1062 = tpu.memref_slice %arg3[%dma_start3A_1061, %multiple_of3A_1049] : memref<16x1000000xf32, #tpu.memory_space<hbm>> -> memref<16x128xf32, #tpu.memory_space<hbm>>
        tpu.enqueue_dma source(%dma_start3A_1062 : memref<16x128xf32, #tpu.memory_space<hbm>>) target(%dma_start3A_1060 : memref<16x128xf32, #tpu.memory_space<vmem>>) target_semaphore(%arg13 : memref<!tpu.dma_semaphore, #tpu.memory_space<semaphore_mem>>)
      } else {
      }
      %mul3A_608 = arith.constant 16 : i32
      %mul3A_609 = arith.muli %scan3A_356, %mul3A_608 : i32
      %add3A_610 = arith.constant 6 : i32
      %add3A_611 = arith.addi %mul3A_609, %add3A_610 : i32
      %dma_wait3A_612 = arith.constant 6 : i32
      %dma_wait3A_613 = arith.constant 0 : i32
      %dma_wait3A_614 = arith.constant 0 : i32
      %dma_wait3A_615 = tpu.memref_slice %arg6[%dma_wait3A_612, %dma_wait3A_613, %dma_wait3A_614] : memref<16x16x128xf32, #tpu.memory_space<vmem>> -> memref<1x16x128xf32, #tpu.memory_space<vmem>>
      %dma_wait3A_616 = tpu.memref_squeeze %dma_wait3A_615 : memref<1x16x128xf32, #tpu.memory_space<vmem>> -> memref<16x128xf32, #tpu.memory_space<vmem>>
      %dma_wait3A_617 = arith.constant 0 : i32
      %dma_wait3A_618 = arith.constant 0 : i32
      %dma_wait3A_619 = tpu.memref_slice %arg3[%dma_wait3A_617, %dma_wait3A_618] : memref<16x1000000xf32, #tpu.memory_space<hbm>> -> memref<16x128xf32, #tpu.memory_space<hbm>>
      %dma_wait3A_620 = arith.constant 0 : i32
      %dma_wait3A_621 = arith.constant 0 : i32
      %dma_wait3A_622 = tpu.memref_slice %arg6[%dma_wait3A_612, %dma_wait3A_620, %dma_wait3A_621] : memref<16x16x128xf32, #tpu.memory_space<vmem>> -> memref<1x16x128xf32, #tpu.memory_space<vmem>>
      %dma_wait3A_623 = tpu.memref_squeeze %dma_wait3A_622 : memref<1x16x128xf32, #tpu.memory_space<vmem>> -> memref<16x128xf32, #tpu.memory_space<vmem>>
      %dma_wait3A_624 = arith.constant 0 : i32
      %dma_wait3A_625 = arith.constant 0 : i32
      %dma_wait3A_626 = tpu.memref_slice %arg3[%dma_wait3A_624, %dma_wait3A_625] : memref<16x1000000xf32, #tpu.memory_space<hbm>> -> memref<16x128xf32, #tpu.memory_space<hbm>>
      tpu.wait_dma2 semaphore(%arg14 : memref<!tpu.dma_semaphore, #tpu.memory_space<semaphore_mem>>) src(%dma_wait3A_626 : memref<16x128xf32, #tpu.memory_space<hbm>>) dst(%dma_wait3A_623 : memref<16x128xf32, #tpu.memory_space<vmem>>)
      %get3A_627 = arith.index_cast %add3A_611 : i32 to index
      %get3A_628 = tpu.vector_load %arg5[%get3A_627] {strides = array<i32>} : memref<528xi32, #tpu.memory_space<vmem>>, vector<16xi32>,
      %slice3A_629 = vector.extract_strided_slice %get3A_628 {offsets = [0], sizes = [1], strides = [1]} : vector<16xi32> to vector<1xi32>
      %squeeze3A_630 = vector.extract %slice3A_629[0] : i32 from vector<1xi32>
      %and3A_631 = arith.constant 127 : i32
      %and3A_632 = arith.andi %squeeze3A_630, %and3A_631 : i32
      %broadcast_in_dim3A_633 = vector.broadcast %and3A_632 : i32 to vector<16xi32>
      %gather3A_634 = arith.constant 6 : i32
      %gather3A_635 = arith.constant 0 : i32
      %gather3A_636 = arith.constant 0 : i32
      %gather3A_637 = tpu.memref_slice %arg6[%gather3A_634, %gather3A_635, %gather3A_636] : memref<16x16x128xf32, #tpu.memory_space<vmem>> -> memref<1x16x128xf32, #tpu.memory_space<vmem>>
      %gather3A_638 = tpu.memref_squeeze %gather3A_637 : memref<1x16x128xf32, #tpu.memory_space<vmem>> -> memref<16x128xf32, #tpu.memory_space<vmem>>
      %gather3A_639 = tpu.vector_load_idx %gather3A_638[%iota3A, %broadcast_in_dim3A_633] : memref<16x128xf32, #tpu.memory_space<vmem>>[vector<16xi32>, vector<16xi32>], vector<16xf32>,
      %mul3A_640 = arith.constant 16 : i32
      %mul3A_641 = arith.muli %add3A_611, %mul3A_640 : i32
      %swap3A_642 = arith.index_cast %mul3A_641 : i32 to index
      %swap3A_643 = tpu.vector_load %arg7[%swap3A_642] {strides = array<i32>} : memref<8192xf32, #tpu.memory_space<vmem>>, vector<16xf32>,
      tpu.vector_store %arg7[%swap3A_642], %gather3A_639 {strides = array<i32>} : memref<8192xf32, #tpu.memory_space<vmem>>, vector<16xf32>,
      %add3A_644 = arith.constant 16 : i32
      %add3A_645 = arith.addi %add3A_611, %add3A_644 : i32
      %lt3A_646 = arith.constant 512 : i32
      %lt3A_647 = arith.cmpi slt, %add3A_645, %lt3A_646 : i32
      %convert_element_type3A_648 = arith.extui %lt3A_647 : i1 to i32
      %cond3A_649 = arith.constant 0 : i32
      %cond3A_650 = arith.cmpi ne, %convert_element_type3A_648, %cond3A_649 : i32
      scf.if %cond3A_650 {
        %add3A_1039 = arith.constant 16 : i32
        %add3A_1040 = arith.addi %add3A_611, %add3A_1039 : i32
        %get3A_1041 = arith.index_cast %add3A_1040 : i32 to index
        %get3A_1042 = tpu.vector_load %arg5[%get3A_1041] {strides = array<i32>} : memref<528xi32, #tpu.memory_space<vmem>>, vector<16xi32>,
        %slice3A_1043 = vector.extract_strided_slice %get3A_1042 {offsets = [0], sizes = [1], strides = [1]} : vector<16xi32> to vector<1xi32>
        %squeeze3A_1044 = vector.extract %slice3A_1043[0] : i32 from vector<1xi32>
        %shift_right_arithmetic3A_1045 = arith.constant 7 : i32
        %shift_right_arithmetic3A_1046 = arith.shrsi %squeeze3A_1044, %shift_right_arithmetic3A_1045 : i32
        %shift_left3A_1047 = arith.constant 7 : i32
        %shift_left3A_1048 = arith.shli %shift_right_arithmetic3A_1046, %shift_left3A_1047 : i32
        %multiple_of3A_1049 = tpu.assume_multiple %shift_left3A_1048, 128 : i32
        %dma_start3A_1050 = arith.constant 6 : i32
        %dma_start3A_1051 = arith.constant 0 : i32
        %dma_start3A_1052 = arith.constant 0 : i32
        %dma_start3A_1053 = tpu.memref_slice %arg6[%dma_start3A_1050, %dma_start3A_1051, %dma_start3A_1052] : memref<16x16x128xf32, #tpu.memory_space<vmem>> -> memref<1x16x128xf32, #tpu.memory_space<vmem>>
        %dma_start3A_1054 = tpu.memref_squeeze %dma_start3A_1053 : memref<1x16x128xf32, #tpu.memory_space<vmem>> -> memref<16x128xf32, #tpu.memory_space<vmem>>
        %dma_start3A_1055 = arith.constant 0 : i32
        %dma_start3A_1056 = tpu.memref_slice %arg3[%dma_start3A_1055, %multiple_of3A_1049] : memref<16x1000000xf32, #tpu.memory_space<hbm>> -> memref<16x128xf32, #tpu.memory_space<hbm>>
        %dma_start3A_1057 = arith.constant 0 : i32
        %dma_start3A_1058 = arith.constant 0 : i32
        %dma_start3A_1059 = tpu.memref_slice %arg6[%dma_start3A_1050, %dma_start3A_1057, %dma_start3A_1058] : memref<16x16x128xf32, #tpu.memory_space<vmem>> -> memref<1x16x128xf32, #tpu.memory_space<vmem>>
        %dma_start3A_1060 = tpu.memref_squeeze %dma_start3A_1059 : memref<1x16x128xf32, #tpu.memory_space<vmem>> -> memref<16x128xf32, #tpu.memory_space<vmem>>
        %dma_start3A_1061 = arith.constant 0 : i32
        %dma_start3A_1062 = tpu.memref_slice %arg3[%dma_start3A_1061, %multiple_of3A_1049] : memref<16x1000000xf32, #tpu.memory_space<hbm>> -> memref<16x128xf32, #tpu.memory_space<hbm>>
        tpu.enqueue_dma source(%dma_start3A_1062 : memref<16x128xf32, #tpu.memory_space<hbm>>) target(%dma_start3A_1060 : memref<16x128xf32, #tpu.memory_space<vmem>>) target_semaphore(%arg14 : memref<!tpu.dma_semaphore, #tpu.memory_space<semaphore_mem>>)
      } else {
      }
      %mul3A_651 = arith.constant 16 : i32
      %mul3A_652 = arith.muli %scan3A_356, %mul3A_651 : i32
      %add3A_653 = arith.constant 7 : i32
      %add3A_654 = arith.addi %mul3A_652, %add3A_653 : i32
      %dma_wait3A_655 = arith.constant 7 : i32
      %dma_wait3A_656 = arith.constant 0 : i32
      %dma_wait3A_657 = arith.constant 0 : i32
      %dma_wait3A_658 = tpu.memref_slice %arg6[%dma_wait3A_655, %dma_wait3A_656, %dma_wait3A_657] : memref<16x16x128xf32, #tpu.memory_space<vmem>> -> memref<1x16x128xf32, #tpu.memory_space<vmem>>
      %dma_wait3A_659 = tpu.memref_squeeze %dma_wait3A_658 : memref<1x16x128xf32, #tpu.memory_space<vmem>> -> memref<16x128xf32, #tpu.memory_space<vmem>>
      %dma_wait3A_660 = arith.constant 0 : i32
      %dma_wait3A_661 = arith.constant 0 : i32
      %dma_wait3A_662 = tpu.memref_slice %arg3[%dma_wait3A_660, %dma_wait3A_661] : memref<16x1000000xf32, #tpu.memory_space<hbm>> -> memref<16x128xf32, #tpu.memory_space<hbm>>
      %dma_wait3A_663 = arith.constant 0 : i32
      %dma_wait3A_664 = arith.constant 0 : i32
      %dma_wait3A_665 = tpu.memref_slice %arg6[%dma_wait3A_655, %dma_wait3A_663, %dma_wait3A_664] : memref<16x16x128xf32, #tpu.memory_space<vmem>> -> memref<1x16x128xf32, #tpu.memory_space<vmem>>
      %dma_wait3A_666 = tpu.memref_squeeze %dma_wait3A_665 : memref<1x16x128xf32, #tpu.memory_space<vmem>> -> memref<16x128xf32, #tpu.memory_space<vmem>>
      %dma_wait3A_667 = arith.constant 0 : i32
      %dma_wait3A_668 = arith.constant 0 : i32
      %dma_wait3A_669 = tpu.memref_slice %arg3[%dma_wait3A_667, %dma_wait3A_668] : memref<16x1000000xf32, #tpu.memory_space<hbm>> -> memref<16x128xf32, #tpu.memory_space<hbm>>
      tpu.wait_dma2 semaphore(%arg15 : memref<!tpu.dma_semaphore, #tpu.memory_space<semaphore_mem>>) src(%dma_wait3A_669 : memref<16x128xf32, #tpu.memory_space<hbm>>) dst(%dma_wait3A_666 : memref<16x128xf32, #tpu.memory_space<vmem>>)
      %get3A_670 = arith.index_cast %add3A_654 : i32 to index
      %get3A_671 = tpu.vector_load %arg5[%get3A_670] {strides = array<i32>} : memref<528xi32, #tpu.memory_space<vmem>>, vector<16xi32>,
      %slice3A_672 = vector.extract_strided_slice %get3A_671 {offsets = [0], sizes = [1], strides = [1]} : vector<16xi32> to vector<1xi32>
      %squeeze3A_673 = vector.extract %slice3A_672[0] : i32 from vector<1xi32>
      %and3A_674 = arith.constant 127 : i32
      %and3A_675 = arith.andi %squeeze3A_673, %and3A_674 : i32
      %broadcast_in_dim3A_676 = vector.broadcast %and3A_675 : i32 to vector<16xi32>
      %gather3A_677 = arith.constant 7 : i32
      %gather3A_678 = arith.constant 0 : i32
      %gather3A_679 = arith.constant 0 : i32
      %gather3A_680 = tpu.memref_slice %arg6[%gather3A_677, %gather3A_678, %gather3A_679] : memref<16x16x128xf32, #tpu.memory_space<vmem>> -> memref<1x16x128xf32, #tpu.memory_space<vmem>>
      %gather3A_681 = tpu.memref_squeeze %gather3A_680 : memref<1x16x128xf32, #tpu.memory_space<vmem>> -> memref<16x128xf32, #tpu.memory_space<vmem>>
      %gather3A_682 = tpu.vector_load_idx %gather3A_681[%iota3A, %broadcast_in_dim3A_676] : memref<16x128xf32, #tpu.memory_space<vmem>>[vector<16xi32>, vector<16xi32>], vector<16xf32>,
      %mul3A_683 = arith.constant 16 : i32
      %mul3A_684 = arith.muli %add3A_654, %mul3A_683 : i32
      %swap3A_685 = arith.index_cast %mul3A_684 : i32 to index
      %swap3A_686 = tpu.vector_load %arg7[%swap3A_685] {strides = array<i32>} : memref<8192xf32, #tpu.memory_space<vmem>>, vector<16xf32>,
      tpu.vector_store %arg7[%swap3A_685], %gather3A_682 {strides = array<i32>} : memref<8192xf32, #tpu.memory_space<vmem>>, vector<16xf32>,
      %add3A_687 = arith.constant 16 : i32
      %add3A_688 = arith.addi %add3A_654, %add3A_687 : i32
      %lt3A_689 = arith.constant 512 : i32
      %lt3A_690 = arith.cmpi slt, %add3A_688, %lt3A_689 : i32
      %convert_element_type3A_691 = arith.extui %lt3A_690 : i1 to i32
      %cond3A_692 = arith.constant 0 : i32
      %cond3A_693 = arith.cmpi ne, %convert_element_type3A_691, %cond3A_692 : i32
      scf.if %cond3A_693 {
        %add3A_1039 = arith.constant 16 : i32
        %add3A_1040 = arith.addi %add3A_654, %add3A_1039 : i32
        %get3A_1041 = arith.index_cast %add3A_1040 : i32 to index
        %get3A_1042 = tpu.vector_load %arg5[%get3A_1041] {strides = array<i32>} : memref<528xi32, #tpu.memory_space<vmem>>, vector<16xi32>,
        %slice3A_1043 = vector.extract_strided_slice %get3A_1042 {offsets = [0], sizes = [1], strides = [1]} : vector<16xi32> to vector<1xi32>
        %squeeze3A_1044 = vector.extract %slice3A_1043[0] : i32 from vector<1xi32>
        %shift_right_arithmetic3A_1045 = arith.constant 7 : i32
        %shift_right_arithmetic3A_1046 = arith.shrsi %squeeze3A_1044, %shift_right_arithmetic3A_1045 : i32
        %shift_left3A_1047 = arith.constant 7 : i32
        %shift_left3A_1048 = arith.shli %shift_right_arithmetic3A_1046, %shift_left3A_1047 : i32
        %multiple_of3A_1049 = tpu.assume_multiple %shift_left3A_1048, 128 : i32
        %dma_start3A_1050 = arith.constant 7 : i32
        %dma_start3A_1051 = arith.constant 0 : i32
        %dma_start3A_1052 = arith.constant 0 : i32
        %dma_start3A_1053 = tpu.memref_slice %arg6[%dma_start3A_1050, %dma_start3A_1051, %dma_start3A_1052] : memref<16x16x128xf32, #tpu.memory_space<vmem>> -> memref<1x16x128xf32, #tpu.memory_space<vmem>>
        %dma_start3A_1054 = tpu.memref_squeeze %dma_start3A_1053 : memref<1x16x128xf32, #tpu.memory_space<vmem>> -> memref<16x128xf32, #tpu.memory_space<vmem>>
        %dma_start3A_1055 = arith.constant 0 : i32
        %dma_start3A_1056 = tpu.memref_slice %arg3[%dma_start3A_1055, %multiple_of3A_1049] : memref<16x1000000xf32, #tpu.memory_space<hbm>> -> memref<16x128xf32, #tpu.memory_space<hbm>>
        %dma_start3A_1057 = arith.constant 0 : i32
        %dma_start3A_1058 = arith.constant 0 : i32
        %dma_start3A_1059 = tpu.memref_slice %arg6[%dma_start3A_1050, %dma_start3A_1057, %dma_start3A_1058] : memref<16x16x128xf32, #tpu.memory_space<vmem>> -> memref<1x16x128xf32, #tpu.memory_space<vmem>>
        %dma_start3A_1060 = tpu.memref_squeeze %dma_start3A_1059 : memref<1x16x128xf32, #tpu.memory_space<vmem>> -> memref<16x128xf32, #tpu.memory_space<vmem>>
        %dma_start3A_1061 = arith.constant 0 : i32
        %dma_start3A_1062 = tpu.memref_slice %arg3[%dma_start3A_1061, %multiple_of3A_1049] : memref<16x1000000xf32, #tpu.memory_space<hbm>> -> memref<16x128xf32, #tpu.memory_space<hbm>>
        tpu.enqueue_dma source(%dma_start3A_1062 : memref<16x128xf32, #tpu.memory_space<hbm>>) target(%dma_start3A_1060 : memref<16x128xf32, #tpu.memory_space<vmem>>) target_semaphore(%arg15 : memref<!tpu.dma_semaphore, #tpu.memory_space<semaphore_mem>>)
      } else {
      }
      %mul3A_694 = arith.constant 16 : i32
      %mul3A_695 = arith.muli %scan3A_356, %mul3A_694 : i32
      %add3A_696 = arith.constant 8 : i32
      %add3A_697 = arith.addi %mul3A_695, %add3A_696 : i32
      %dma_wait3A_698 = arith.constant 8 : i32
      %dma_wait3A_699 = arith.constant 0 : i32
      %dma_wait3A_700 = arith.constant 0 : i32
      %dma_wait3A_701 = tpu.memref_slice %arg6[%dma_wait3A_698, %dma_wait3A_699, %dma_wait3A_700] : memref<16x16x128xf32, #tpu.memory_space<vmem>> -> memref<1x16x128xf32, #tpu.memory_space<vmem>>
      %dma_wait3A_702 = tpu.memref_squeeze %dma_wait3A_701 : memref<1x16x128xf32, #tpu.memory_space<vmem>> -> memref<16x128xf32, #tpu.memory_space<vmem>>
      %dma_wait3A_703 = arith.constant 0 : i32
      %dma_wait3A_704 = arith.constant 0 : i32
      %dma_wait3A_705 = tpu.memref_slice %arg3[%dma_wait3A_703, %dma_wait3A_704] : memref<16x1000000xf32, #tpu.memory_space<hbm>> -> memref<16x128xf32, #tpu.memory_space<hbm>>
      %dma_wait3A_706 = arith.constant 0 : i32
      %dma_wait3A_707 = arith.constant 0 : i32
      %dma_wait3A_708 = tpu.memref_slice %arg6[%dma_wait3A_698, %dma_wait3A_706, %dma_wait3A_707] : memref<16x16x128xf32, #tpu.memory_space<vmem>> -> memref<1x16x128xf32, #tpu.memory_space<vmem>>
      %dma_wait3A_709 = tpu.memref_squeeze %dma_wait3A_708 : memref<1x16x128xf32, #tpu.memory_space<vmem>> -> memref<16x128xf32, #tpu.memory_space<vmem>>
      %dma_wait3A_710 = arith.constant 0 : i32
      %dma_wait3A_711 = arith.constant 0 : i32
      %dma_wait3A_712 = tpu.memref_slice %arg3[%dma_wait3A_710, %dma_wait3A_711] : memref<16x1000000xf32, #tpu.memory_space<hbm>> -> memref<16x128xf32, #tpu.memory_space<hbm>>
      tpu.wait_dma2 semaphore(%arg16 : memref<!tpu.dma_semaphore, #tpu.memory_space<semaphore_mem>>) src(%dma_wait3A_712 : memref<16x128xf32, #tpu.memory_space<hbm>>) dst(%dma_wait3A_709 : memref<16x128xf32, #tpu.memory_space<vmem>>)
      %get3A_713 = arith.index_cast %add3A_697 : i32 to index
      %get3A_714 = tpu.vector_load %arg5[%get3A_713] {strides = array<i32>} : memref<528xi32, #tpu.memory_space<vmem>>, vector<16xi32>,
      %slice3A_715 = vector.extract_strided_slice %get3A_714 {offsets = [0], sizes = [1], strides = [1]} : vector<16xi32> to vector<1xi32>
      %squeeze3A_716 = vector.extract %slice3A_715[0] : i32 from vector<1xi32>
      %and3A_717 = arith.constant 127 : i32
      %and3A_718 = arith.andi %squeeze3A_716, %and3A_717 : i32
      %broadcast_in_dim3A_719 = vector.broadcast %and3A_718 : i32 to vector<16xi32>
      %gather3A_720 = arith.constant 8 : i32
      %gather3A_721 = arith.constant 0 : i32
      %gather3A_722 = arith.constant 0 : i32
      %gather3A_723 = tpu.memref_slice %arg6[%gather3A_720, %gather3A_721, %gather3A_722] : memref<16x16x128xf32, #tpu.memory_space<vmem>> -> memref<1x16x128xf32, #tpu.memory_space<vmem>>
      %gather3A_724 = tpu.memref_squeeze %gather3A_723 : memref<1x16x128xf32, #tpu.memory_space<vmem>> -> memref<16x128xf32, #tpu.memory_space<vmem>>
      %gather3A_725 = tpu.vector_load_idx %gather3A_724[%iota3A, %broadcast_in_dim3A_719] : memref<16x128xf32, #tpu.memory_space<vmem>>[vector<16xi32>, vector<16xi32>], vector<16xf32>,
      %mul3A_726 = arith.constant 16 : i32
      %mul3A_727 = arith.muli %add3A_697, %mul3A_726 : i32
      %swap3A_728 = arith.index_cast %mul3A_727 : i32 to index
      %swap3A_729 = tpu.vector_load %arg7[%swap3A_728] {strides = array<i32>} : memref<8192xf32, #tpu.memory_space<vmem>>, vector<16xf32>,
      tpu.vector_store %arg7[%swap3A_728], %gather3A_725 {strides = array<i32>} : memref<8192xf32, #tpu.memory_space<vmem>>, vector<16xf32>,
      %add3A_730 = arith.constant 16 : i32
      %add3A_731 = arith.addi %add3A_697, %add3A_730 : i32
      %lt3A_732 = arith.constant 512 : i32
      %lt3A_733 = arith.cmpi slt, %add3A_731, %lt3A_732 : i32
      %convert_element_type3A_734 = arith.extui %lt3A_733 : i1 to i32
      %cond3A_735 = arith.constant 0 : i32
      %cond3A_736 = arith.cmpi ne, %convert_element_type3A_734, %cond3A_735 : i32
      scf.if %cond3A_736 {
        %add3A_1039 = arith.constant 16 : i32
        %add3A_1040 = arith.addi %add3A_697, %add3A_1039 : i32
        %get3A_1041 = arith.index_cast %add3A_1040 : i32 to index
        %get3A_1042 = tpu.vector_load %arg5[%get3A_1041] {strides = array<i32>} : memref<528xi32, #tpu.memory_space<vmem>>, vector<16xi32>,
        %slice3A_1043 = vector.extract_strided_slice %get3A_1042 {offsets = [0], sizes = [1], strides = [1]} : vector<16xi32> to vector<1xi32>
        %squeeze3A_1044 = vector.extract %slice3A_1043[0] : i32 from vector<1xi32>
        %shift_right_arithmetic3A_1045 = arith.constant 7 : i32
        %shift_right_arithmetic3A_1046 = arith.shrsi %squeeze3A_1044, %shift_right_arithmetic3A_1045 : i32
        %shift_left3A_1047 = arith.constant 7 : i32
        %shift_left3A_1048 = arith.shli %shift_right_arithmetic3A_1046, %shift_left3A_1047 : i32
        %multiple_of3A_1049 = tpu.assume_multiple %shift_left3A_1048, 128 : i32
        %dma_start3A_1050 = arith.constant 8 : i32
        %dma_start3A_1051 = arith.constant 0 : i32
        %dma_start3A_1052 = arith.constant 0 : i32
        %dma_start3A_1053 = tpu.memref_slice %arg6[%dma_start3A_1050, %dma_start3A_1051, %dma_start3A_1052] : memref<16x16x128xf32, #tpu.memory_space<vmem>> -> memref<1x16x128xf32, #tpu.memory_space<vmem>>
        %dma_start3A_1054 = tpu.memref_squeeze %dma_start3A_1053 : memref<1x16x128xf32, #tpu.memory_space<vmem>> -> memref<16x128xf32, #tpu.memory_space<vmem>>
        %dma_start3A_1055 = arith.constant 0 : i32
        %dma_start3A_1056 = tpu.memref_slice %arg3[%dma_start3A_1055, %multiple_of3A_1049] : memref<16x1000000xf32, #tpu.memory_space<hbm>> -> memref<16x128xf32, #tpu.memory_space<hbm>>
        %dma_start3A_1057 = arith.constant 0 : i32
        %dma_start3A_1058 = arith.constant 0 : i32
        %dma_start3A_1059 = tpu.memref_slice %arg6[%dma_start3A_1050, %dma_start3A_1057, %dma_start3A_1058] : memref<16x16x128xf32, #tpu.memory_space<vmem>> -> memref<1x16x128xf32, #tpu.memory_space<vmem>>
        %dma_start3A_1060 = tpu.memref_squeeze %dma_start3A_1059 : memref<1x16x128xf32, #tpu.memory_space<vmem>> -> memref<16x128xf32, #tpu.memory_space<vmem>>
        %dma_start3A_1061 = arith.constant 0 : i32
        %dma_start3A_1062 = tpu.memref_slice %arg3[%dma_start3A_1061, %multiple_of3A_1049] : memref<16x1000000xf32, #tpu.memory_space<hbm>> -> memref<16x128xf32, #tpu.memory_space<hbm>>
        tpu.enqueue_dma source(%dma_start3A_1062 : memref<16x128xf32, #tpu.memory_space<hbm>>) target(%dma_start3A_1060 : memref<16x128xf32, #tpu.memory_space<vmem>>) target_semaphore(%arg16 : memref<!tpu.dma_semaphore, #tpu.memory_space<semaphore_mem>>)
      } else {
      }
      %mul3A_737 = arith.constant 16 : i32
      %mul3A_738 = arith.muli %scan3A_356, %mul3A_737 : i32
      %add3A_739 = arith.constant 9 : i32
      %add3A_740 = arith.addi %mul3A_738, %add3A_739 : i32
      %dma_wait3A_741 = arith.constant 9 : i32
      %dma_wait3A_742 = arith.constant 0 : i32
      %dma_wait3A_743 = arith.constant 0 : i32
      %dma_wait3A_744 = tpu.memref_slice %arg6[%dma_wait3A_741, %dma_wait3A_742, %dma_wait3A_743] : memref<16x16x128xf32, #tpu.memory_space<vmem>> -> memref<1x16x128xf32, #tpu.memory_space<vmem>>
      %dma_wait3A_745 = tpu.memref_squeeze %dma_wait3A_744 : memref<1x16x128xf32, #tpu.memory_space<vmem>> -> memref<16x128xf32, #tpu.memory_space<vmem>>
      %dma_wait3A_746 = arith.constant 0 : i32
      %dma_wait3A_747 = arith.constant 0 : i32
      %dma_wait3A_748 = tpu.memref_slice %arg3[%dma_wait3A_746, %dma_wait3A_747] : memref<16x1000000xf32, #tpu.memory_space<hbm>> -> memref<16x128xf32, #tpu.memory_space<hbm>>
      %dma_wait3A_749 = arith.constant 0 : i32
      %dma_wait3A_750 = arith.constant 0 : i32
      %dma_wait3A_751 = tpu.memref_slice %arg6[%dma_wait3A_741, %dma_wait3A_749, %dma_wait3A_750] : memref<16x16x128xf32, #tpu.memory_space<vmem>> -> memref<1x16x128xf32, #tpu.memory_space<vmem>>
      %dma_wait3A_752 = tpu.memref_squeeze %dma_wait3A_751 : memref<1x16x128xf32, #tpu.memory_space<vmem>> -> memref<16x128xf32, #tpu.memory_space<vmem>>
      %dma_wait3A_753 = arith.constant 0 : i32
      %dma_wait3A_754 = arith.constant 0 : i32
      %dma_wait3A_755 = tpu.memref_slice %arg3[%dma_wait3A_753, %dma_wait3A_754] : memref<16x1000000xf32, #tpu.memory_space<hbm>> -> memref<16x128xf32, #tpu.memory_space<hbm>>
      tpu.wait_dma2 semaphore(%arg17 : memref<!tpu.dma_semaphore, #tpu.memory_space<semaphore_mem>>) src(%dma_wait3A_755 : memref<16x128xf32, #tpu.memory_space<hbm>>) dst(%dma_wait3A_752 : memref<16x128xf32, #tpu.memory_space<vmem>>)
      %get3A_756 = arith.index_cast %add3A_740 : i32 to index
      %get3A_757 = tpu.vector_load %arg5[%get3A_756] {strides = array<i32>} : memref<528xi32, #tpu.memory_space<vmem>>, vector<16xi32>,
      %slice3A_758 = vector.extract_strided_slice %get3A_757 {offsets = [0], sizes = [1], strides = [1]} : vector<16xi32> to vector<1xi32>
      %squeeze3A_759 = vector.extract %slice3A_758[0] : i32 from vector<1xi32>
      %and3A_760 = arith.constant 127 : i32
      %and3A_761 = arith.andi %squeeze3A_759, %and3A_760 : i32
      %broadcast_in_dim3A_762 = vector.broadcast %and3A_761 : i32 to vector<16xi32>
      %gather3A_763 = arith.constant 9 : i32
      %gather3A_764 = arith.constant 0 : i32
      %gather3A_765 = arith.constant 0 : i32
      %gather3A_766 = tpu.memref_slice %arg6[%gather3A_763, %gather3A_764, %gather3A_765] : memref<16x16x128xf32, #tpu.memory_space<vmem>> -> memref<1x16x128xf32, #tpu.memory_space<vmem>>
      %gather3A_767 = tpu.memref_squeeze %gather3A_766 : memref<1x16x128xf32, #tpu.memory_space<vmem>> -> memref<16x128xf32, #tpu.memory_space<vmem>>
      %gather3A_768 = tpu.vector_load_idx %gather3A_767[%iota3A, %broadcast_in_dim3A_762] : memref<16x128xf32, #tpu.memory_space<vmem>>[vector<16xi32>, vector<16xi32>], vector<16xf32>,
      %mul3A_769 = arith.constant 16 : i32
      %mul3A_770 = arith.muli %add3A_740, %mul3A_769 : i32
      %swap3A_771 = arith.index_cast %mul3A_770 : i32 to index
      %swap3A_772 = tpu.vector_load %arg7[%swap3A_771] {strides = array<i32>} : memref<8192xf32, #tpu.memory_space<vmem>>, vector<16xf32>,
      tpu.vector_store %arg7[%swap3A_771], %gather3A_768 {strides = array<i32>} : memref<8192xf32, #tpu.memory_space<vmem>>, vector<16xf32>,
      %add3A_773 = arith.constant 16 : i32
      %add3A_774 = arith.addi %add3A_740, %add3A_773 : i32
      %lt3A_775 = arith.constant 512 : i32
      %lt3A_776 = arith.cmpi slt, %add3A_774, %lt3A_775 : i32
      %convert_element_type3A_777 = arith.extui %lt3A_776 : i1 to i32
      %cond3A_778 = arith.constant 0 : i32
      %cond3A_779 = arith.cmpi ne, %convert_element_type3A_777, %cond3A_778 : i32
      scf.if %cond3A_779 {
        %add3A_1039 = arith.constant 16 : i32
        %add3A_1040 = arith.addi %add3A_740, %add3A_1039 : i32
        %get3A_1041 = arith.index_cast %add3A_1040 : i32 to index
        %get3A_1042 = tpu.vector_load %arg5[%get3A_1041] {strides = array<i32>} : memref<528xi32, #tpu.memory_space<vmem>>, vector<16xi32>,
        %slice3A_1043 = vector.extract_strided_slice %get3A_1042 {offsets = [0], sizes = [1], strides = [1]} : vector<16xi32> to vector<1xi32>
        %squeeze3A_1044 = vector.extract %slice3A_1043[0] : i32 from vector<1xi32>
        %shift_right_arithmetic3A_1045 = arith.constant 7 : i32
        %shift_right_arithmetic3A_1046 = arith.shrsi %squeeze3A_1044, %shift_right_arithmetic3A_1045 : i32
        %shift_left3A_1047 = arith.constant 7 : i32
        %shift_left3A_1048 = arith.shli %shift_right_arithmetic3A_1046, %shift_left3A_1047 : i32
        %multiple_of3A_1049 = tpu.assume_multiple %shift_left3A_1048, 128 : i32
        %dma_start3A_1050 = arith.constant 9 : i32
        %dma_start3A_1051 = arith.constant 0 : i32
        %dma_start3A_1052 = arith.constant 0 : i32
        %dma_start3A_1053 = tpu.memref_slice %arg6[%dma_start3A_1050, %dma_start3A_1051, %dma_start3A_1052] : memref<16x16x128xf32, #tpu.memory_space<vmem>> -> memref<1x16x128xf32, #tpu.memory_space<vmem>>
        %dma_start3A_1054 = tpu.memref_squeeze %dma_start3A_1053 : memref<1x16x128xf32, #tpu.memory_space<vmem>> -> memref<16x128xf32, #tpu.memory_space<vmem>>
        %dma_start3A_1055 = arith.constant 0 : i32
        %dma_start3A_1056 = tpu.memref_slice %arg3[%dma_start3A_1055, %multiple_of3A_1049] : memref<16x1000000xf32, #tpu.memory_space<hbm>> -> memref<16x128xf32, #tpu.memory_space<hbm>>
        %dma_start3A_1057 = arith.constant 0 : i32
        %dma_start3A_1058 = arith.constant 0 : i32
        %dma_start3A_1059 = tpu.memref_slice %arg6[%dma_start3A_1050, %dma_start3A_1057, %dma_start3A_1058] : memref<16x16x128xf32, #tpu.memory_space<vmem>> -> memref<1x16x128xf32, #tpu.memory_space<vmem>>
        %dma_start3A_1060 = tpu.memref_squeeze %dma_start3A_1059 : memref<1x16x128xf32, #tpu.memory_space<vmem>> -> memref<16x128xf32, #tpu.memory_space<vmem>>
        %dma_start3A_1061 = arith.constant 0 : i32
        %dma_start3A_1062 = tpu.memref_slice %arg3[%dma_start3A_1061, %multiple_of3A_1049] : memref<16x1000000xf32, #tpu.memory_space<hbm>> -> memref<16x128xf32, #tpu.memory_space<hbm>>
        tpu.enqueue_dma source(%dma_start3A_1062 : memref<16x128xf32, #tpu.memory_space<hbm>>) target(%dma_start3A_1060 : memref<16x128xf32, #tpu.memory_space<vmem>>) target_semaphore(%arg17 : memref<!tpu.dma_semaphore, #tpu.memory_space<semaphore_mem>>)
      } else {
      }
      %mul3A_780 = arith.constant 16 : i32
      %mul3A_781 = arith.muli %scan3A_356, %mul3A_780 : i32
      %add3A_782 = arith.constant 10 : i32
      %add3A_783 = arith.addi %mul3A_781, %add3A_782 : i32
      %dma_wait3A_784 = arith.constant 10 : i32
      %dma_wait3A_785 = arith.constant 0 : i32
      %dma_wait3A_786 = arith.constant 0 : i32
      %dma_wait3A_787 = tpu.memref_slice %arg6[%dma_wait3A_784, %dma_wait3A_785, %dma_wait3A_786] : memref<16x16x128xf32, #tpu.memory_space<vmem>> -> memref<1x16x128xf32, #tpu.memory_space<vmem>>
      %dma_wait3A_788 = tpu.memref_squeeze %dma_wait3A_787 : memref<1x16x128xf32, #tpu.memory_space<vmem>> -> memref<16x128xf32, #tpu.memory_space<vmem>>
      %dma_wait3A_789 = arith.constant 0 : i32
      %dma_wait3A_790 = arith.constant 0 : i32
      %dma_wait3A_791 = tpu.memref_slice %arg3[%dma_wait3A_789, %dma_wait3A_790] : memref<16x1000000xf32, #tpu.memory_space<hbm>> -> memref<16x128xf32, #tpu.memory_space<hbm>>
      %dma_wait3A_792 = arith.constant 0 : i32
      %dma_wait3A_793 = arith.constant 0 : i32
      %dma_wait3A_794 = tpu.memref_slice %arg6[%dma_wait3A_784, %dma_wait3A_792, %dma_wait3A_793] : memref<16x16x128xf32, #tpu.memory_space<vmem>> -> memref<1x16x128xf32, #tpu.memory_space<vmem>>
      %dma_wait3A_795 = tpu.memref_squeeze %dma_wait3A_794 : memref<1x16x128xf32, #tpu.memory_space<vmem>> -> memref<16x128xf32, #tpu.memory_space<vmem>>
      %dma_wait3A_796 = arith.constant 0 : i32
      %dma_wait3A_797 = arith.constant 0 : i32
      %dma_wait3A_798 = tpu.memref_slice %arg3[%dma_wait3A_796, %dma_wait3A_797] : memref<16x1000000xf32, #tpu.memory_space<hbm>> -> memref<16x128xf32, #tpu.memory_space<hbm>>
      tpu.wait_dma2 semaphore(%arg18 : memref<!tpu.dma_semaphore, #tpu.memory_space<semaphore_mem>>) src(%dma_wait3A_798 : memref<16x128xf32, #tpu.memory_space<hbm>>) dst(%dma_wait3A_795 : memref<16x128xf32, #tpu.memory_space<vmem>>)
      %get3A_799 = arith.index_cast %add3A_783 : i32 to index
      %get3A_800 = tpu.vector_load %arg5[%get3A_799] {strides = array<i32>} : memref<528xi32, #tpu.memory_space<vmem>>, vector<16xi32>,
      %slice3A_801 = vector.extract_strided_slice %get3A_800 {offsets = [0], sizes = [1], strides = [1]} : vector<16xi32> to vector<1xi32>
      %squeeze3A_802 = vector.extract %slice3A_801[0] : i32 from vector<1xi32>
      %and3A_803 = arith.constant 127 : i32
      %and3A_804 = arith.andi %squeeze3A_802, %and3A_803 : i32
      %broadcast_in_dim3A_805 = vector.broadcast %and3A_804 : i32 to vector<16xi32>
      %gather3A_806 = arith.constant 10 : i32
      %gather3A_807 = arith.constant 0 : i32
      %gather3A_808 = arith.constant 0 : i32
      %gather3A_809 = tpu.memref_slice %arg6[%gather3A_806, %gather3A_807, %gather3A_808] : memref<16x16x128xf32, #tpu.memory_space<vmem>> -> memref<1x16x128xf32, #tpu.memory_space<vmem>>
      %gather3A_810 = tpu.memref_squeeze %gather3A_809 : memref<1x16x128xf32, #tpu.memory_space<vmem>> -> memref<16x128xf32, #tpu.memory_space<vmem>>
      %gather3A_811 = tpu.vector_load_idx %gather3A_810[%iota3A, %broadcast_in_dim3A_805] : memref<16x128xf32, #tpu.memory_space<vmem>>[vector<16xi32>, vector<16xi32>], vector<16xf32>,
      %mul3A_812 = arith.constant 16 : i32
      %mul3A_813 = arith.muli %add3A_783, %mul3A_812 : i32
      %swap3A_814 = arith.index_cast %mul3A_813 : i32 to index
      %swap3A_815 = tpu.vector_load %arg7[%swap3A_814] {strides = array<i32>} : memref<8192xf32, #tpu.memory_space<vmem>>, vector<16xf32>,
      tpu.vector_store %arg7[%swap3A_814], %gather3A_811 {strides = array<i32>} : memref<8192xf32, #tpu.memory_space<vmem>>, vector<16xf32>,
      %add3A_816 = arith.constant 16 : i32
      %add3A_817 = arith.addi %add3A_783, %add3A_816 : i32
      %lt3A_818 = arith.constant 512 : i32
      %lt3A_819 = arith.cmpi slt, %add3A_817, %lt3A_818 : i32
      %convert_element_type3A_820 = arith.extui %lt3A_819 : i1 to i32
      %cond3A_821 = arith.constant 0 : i32
      %cond3A_822 = arith.cmpi ne, %convert_element_type3A_820, %cond3A_821 : i32
      scf.if %cond3A_822 {
        %add3A_1039 = arith.constant 16 : i32
        %add3A_1040 = arith.addi %add3A_783, %add3A_1039 : i32
        %get3A_1041 = arith.index_cast %add3A_1040 : i32 to index
        %get3A_1042 = tpu.vector_load %arg5[%get3A_1041] {strides = array<i32>} : memref<528xi32, #tpu.memory_space<vmem>>, vector<16xi32>,
        %slice3A_1043 = vector.extract_strided_slice %get3A_1042 {offsets = [0], sizes = [1], strides = [1]} : vector<16xi32> to vector<1xi32>
        %squeeze3A_1044 = vector.extract %slice3A_1043[0] : i32 from vector<1xi32>
        %shift_right_arithmetic3A_1045 = arith.constant 7 : i32
        %shift_right_arithmetic3A_1046 = arith.shrsi %squeeze3A_1044, %shift_right_arithmetic3A_1045 : i32
        %shift_left3A_1047 = arith.constant 7 : i32
        %shift_left3A_1048 = arith.shli %shift_right_arithmetic3A_1046, %shift_left3A_1047 : i32
        %multiple_of3A_1049 = tpu.assume_multiple %shift_left3A_1048, 128 : i32
        %dma_start3A_1050 = arith.constant 10 : i32
        %dma_start3A_1051 = arith.constant 0 : i32
        %dma_start3A_1052 = arith.constant 0 : i32
        %dma_start3A_1053 = tpu.memref_slice %arg6[%dma_start3A_1050, %dma_start3A_1051, %dma_start3A_1052] : memref<16x16x128xf32, #tpu.memory_space<vmem>> -> memref<1x16x128xf32, #tpu.memory_space<vmem>>
        %dma_start3A_1054 = tpu.memref_squeeze %dma_start3A_1053 : memref<1x16x128xf32, #tpu.memory_space<vmem>> -> memref<16x128xf32, #tpu.memory_space<vmem>>
        %dma_start3A_1055 = arith.constant 0 : i32
        %dma_start3A_1056 = tpu.memref_slice %arg3[%dma_start3A_1055, %multiple_of3A_1049] : memref<16x1000000xf32, #tpu.memory_space<hbm>> -> memref<16x128xf32, #tpu.memory_space<hbm>>
        %dma_start3A_1057 = arith.constant 0 : i32
        %dma_start3A_1058 = arith.constant 0 : i32
        %dma_start3A_1059 = tpu.memref_slice %arg6[%dma_start3A_1050, %dma_start3A_1057, %dma_start3A_1058] : memref<16x16x128xf32, #tpu.memory_space<vmem>> -> memref<1x16x128xf32, #tpu.memory_space<vmem>>
        %dma_start3A_1060 = tpu.memref_squeeze %dma_start3A_1059 : memref<1x16x128xf32, #tpu.memory_space<vmem>> -> memref<16x128xf32, #tpu.memory_space<vmem>>
        %dma_start3A_1061 = arith.constant 0 : i32
        %dma_start3A_1062 = tpu.memref_slice %arg3[%dma_start3A_1061, %multiple_of3A_1049] : memref<16x1000000xf32, #tpu.memory_space<hbm>> -> memref<16x128xf32, #tpu.memory_space<hbm>>
        tpu.enqueue_dma source(%dma_start3A_1062 : memref<16x128xf32, #tpu.memory_space<hbm>>) target(%dma_start3A_1060 : memref<16x128xf32, #tpu.memory_space<vmem>>) target_semaphore(%arg18 : memref<!tpu.dma_semaphore, #tpu.memory_space<semaphore_mem>>)
      } else {
      }
      %mul3A_823 = arith.constant 16 : i32
      %mul3A_824 = arith.muli %scan3A_356, %mul3A_823 : i32
      %add3A_825 = arith.constant 11 : i32
      %add3A_826 = arith.addi %mul3A_824, %add3A_825 : i32
      %dma_wait3A_827 = arith.constant 11 : i32
      %dma_wait3A_828 = arith.constant 0 : i32
      %dma_wait3A_829 = arith.constant 0 : i32
      %dma_wait3A_830 = tpu.memref_slice %arg6[%dma_wait3A_827, %dma_wait3A_828, %dma_wait3A_829] : memref<16x16x128xf32, #tpu.memory_space<vmem>> -> memref<1x16x128xf32, #tpu.memory_space<vmem>>
      %dma_wait3A_831 = tpu.memref_squeeze %dma_wait3A_830 : memref<1x16x128xf32, #tpu.memory_space<vmem>> -> memref<16x128xf32, #tpu.memory_space<vmem>>
      %dma_wait3A_832 = arith.constant 0 : i32
      %dma_wait3A_833 = arith.constant 0 : i32
      %dma_wait3A_834 = tpu.memref_slice %arg3[%dma_wait3A_832, %dma_wait3A_833] : memref<16x1000000xf32, #tpu.memory_space<hbm>> -> memref<16x128xf32, #tpu.memory_space<hbm>>
      %dma_wait3A_835 = arith.constant 0 : i32
      %dma_wait3A_836 = arith.constant 0 : i32
      %dma_wait3A_837 = tpu.memref_slice %arg6[%dma_wait3A_827, %dma_wait3A_835, %dma_wait3A_836] : memref<16x16x128xf32, #tpu.memory_space<vmem>> -> memref<1x16x128xf32, #tpu.memory_space<vmem>>
      %dma_wait3A_838 = tpu.memref_squeeze %dma_wait3A_837 : memref<1x16x128xf32, #tpu.memory_space<vmem>> -> memref<16x128xf32, #tpu.memory_space<vmem>>
      %dma_wait3A_839 = arith.constant 0 : i32
      %dma_wait3A_840 = arith.constant 0 : i32
      %dma_wait3A_841 = tpu.memref_slice %arg3[%dma_wait3A_839, %dma_wait3A_840] : memref<16x1000000xf32, #tpu.memory_space<hbm>> -> memref<16x128xf32, #tpu.memory_space<hbm>>
      tpu.wait_dma2 semaphore(%arg19 : memref<!tpu.dma_semaphore, #tpu.memory_space<semaphore_mem>>) src(%dma_wait3A_841 : memref<16x128xf32, #tpu.memory_space<hbm>>) dst(%dma_wait3A_838 : memref<16x128xf32, #tpu.memory_space<vmem>>)
      %get3A_842 = arith.index_cast %add3A_826 : i32 to index
      %get3A_843 = tpu.vector_load %arg5[%get3A_842] {strides = array<i32>} : memref<528xi32, #tpu.memory_space<vmem>>, vector<16xi32>,
      %slice3A_844 = vector.extract_strided_slice %get3A_843 {offsets = [0], sizes = [1], strides = [1]} : vector<16xi32> to vector<1xi32>
      %squeeze3A_845 = vector.extract %slice3A_844[0] : i32 from vector<1xi32>
      %and3A_846 = arith.constant 127 : i32
      %and3A_847 = arith.andi %squeeze3A_845, %and3A_846 : i32
      %broadcast_in_dim3A_848 = vector.broadcast %and3A_847 : i32 to vector<16xi32>
      %gather3A_849 = arith.constant 11 : i32
      %gather3A_850 = arith.constant 0 : i32
      %gather3A_851 = arith.constant 0 : i32
      %gather3A_852 = tpu.memref_slice %arg6[%gather3A_849, %gather3A_850, %gather3A_851] : memref<16x16x128xf32, #tpu.memory_space<vmem>> -> memref<1x16x128xf32, #tpu.memory_space<vmem>>
      %gather3A_853 = tpu.memref_squeeze %gather3A_852 : memref<1x16x128xf32, #tpu.memory_space<vmem>> -> memref<16x128xf32, #tpu.memory_space<vmem>>
      %gather3A_854 = tpu.vector_load_idx %gather3A_853[%iota3A, %broadcast_in_dim3A_848] : memref<16x128xf32, #tpu.memory_space<vmem>>[vector<16xi32>, vector<16xi32>], vector<16xf32>,
      %mul3A_855 = arith.constant 16 : i32
      %mul3A_856 = arith.muli %add3A_826, %mul3A_855 : i32
      %swap3A_857 = arith.index_cast %mul3A_856 : i32 to index
      %swap3A_858 = tpu.vector_load %arg7[%swap3A_857] {strides = array<i32>} : memref<8192xf32, #tpu.memory_space<vmem>>, vector<16xf32>,
      tpu.vector_store %arg7[%swap3A_857], %gather3A_854 {strides = array<i32>} : memref<8192xf32, #tpu.memory_space<vmem>>, vector<16xf32>,
      %add3A_859 = arith.constant 16 : i32
      %add3A_860 = arith.addi %add3A_826, %add3A_859 : i32
      %lt3A_861 = arith.constant 512 : i32
      %lt3A_862 = arith.cmpi slt, %add3A_860, %lt3A_861 : i32
      %convert_element_type3A_863 = arith.extui %lt3A_862 : i1 to i32
      %cond3A_864 = arith.constant 0 : i32
      %cond3A_865 = arith.cmpi ne, %convert_element_type3A_863, %cond3A_864 : i32
      scf.if %cond3A_865 {
        %add3A_1039 = arith.constant 16 : i32
        %add3A_1040 = arith.addi %add3A_826, %add3A_1039 : i32
        %get3A_1041 = arith.index_cast %add3A_1040 : i32 to index
        %get3A_1042 = tpu.vector_load %arg5[%get3A_1041] {strides = array<i32>} : memref<528xi32, #tpu.memory_space<vmem>>, vector<16xi32>,
        %slice3A_1043 = vector.extract_strided_slice %get3A_1042 {offsets = [0], sizes = [1], strides = [1]} : vector<16xi32> to vector<1xi32>
        %squeeze3A_1044 = vector.extract %slice3A_1043[0] : i32 from vector<1xi32>
        %shift_right_arithmetic3A_1045 = arith.constant 7 : i32
        %shift_right_arithmetic3A_1046 = arith.shrsi %squeeze3A_1044, %shift_right_arithmetic3A_1045 : i32
        %shift_left3A_1047 = arith.constant 7 : i32
        %shift_left3A_1048 = arith.shli %shift_right_arithmetic3A_1046, %shift_left3A_1047 : i32
        %multiple_of3A_1049 = tpu.assume_multiple %shift_left3A_1048, 128 : i32
        %dma_start3A_1050 = arith.constant 11 : i32
        %dma_start3A_1051 = arith.constant 0 : i32
        %dma_start3A_1052 = arith.constant 0 : i32
        %dma_start3A_1053 = tpu.memref_slice %arg6[%dma_start3A_1050, %dma_start3A_1051, %dma_start3A_1052] : memref<16x16x128xf32, #tpu.memory_space<vmem>> -> memref<1x16x128xf32, #tpu.memory_space<vmem>>
        %dma_start3A_1054 = tpu.memref_squeeze %dma_start3A_1053 : memref<1x16x128xf32, #tpu.memory_space<vmem>> -> memref<16x128xf32, #tpu.memory_space<vmem>>
        %dma_start3A_1055 = arith.constant 0 : i32
        %dma_start3A_1056 = tpu.memref_slice %arg3[%dma_start3A_1055, %multiple_of3A_1049] : memref<16x1000000xf32, #tpu.memory_space<hbm>> -> memref<16x128xf32, #tpu.memory_space<hbm>>
        %dma_start3A_1057 = arith.constant 0 : i32
        %dma_start3A_1058 = arith.constant 0 : i32
        %dma_start3A_1059 = tpu.memref_slice %arg6[%dma_start3A_1050, %dma_start3A_1057, %dma_start3A_1058] : memref<16x16x128xf32, #tpu.memory_space<vmem>> -> memref<1x16x128xf32, #tpu.memory_space<vmem>>
        %dma_start3A_1060 = tpu.memref_squeeze %dma_start3A_1059 : memref<1x16x128xf32, #tpu.memory_space<vmem>> -> memref<16x128xf32, #tpu.memory_space<vmem>>
        %dma_start3A_1061 = arith.constant 0 : i32
        %dma_start3A_1062 = tpu.memref_slice %arg3[%dma_start3A_1061, %multiple_of3A_1049] : memref<16x1000000xf32, #tpu.memory_space<hbm>> -> memref<16x128xf32, #tpu.memory_space<hbm>>
        tpu.enqueue_dma source(%dma_start3A_1062 : memref<16x128xf32, #tpu.memory_space<hbm>>) target(%dma_start3A_1060 : memref<16x128xf32, #tpu.memory_space<vmem>>) target_semaphore(%arg19 : memref<!tpu.dma_semaphore, #tpu.memory_space<semaphore_mem>>)
      } else {
      }
      %mul3A_866 = arith.constant 16 : i32
      %mul3A_867 = arith.muli %scan3A_356, %mul3A_866 : i32
      %add3A_868 = arith.constant 12 : i32
      %add3A_869 = arith.addi %mul3A_867, %add3A_868 : i32
      %dma_wait3A_870 = arith.constant 12 : i32
      %dma_wait3A_871 = arith.constant 0 : i32
      %dma_wait3A_872 = arith.constant 0 : i32
      %dma_wait3A_873 = tpu.memref_slice %arg6[%dma_wait3A_870, %dma_wait3A_871, %dma_wait3A_872] : memref<16x16x128xf32, #tpu.memory_space<vmem>> -> memref<1x16x128xf32, #tpu.memory_space<vmem>>
      %dma_wait3A_874 = tpu.memref_squeeze %dma_wait3A_873 : memref<1x16x128xf32, #tpu.memory_space<vmem>> -> memref<16x128xf32, #tpu.memory_space<vmem>>
      %dma_wait3A_875 = arith.constant 0 : i32
      %dma_wait3A_876 = arith.constant 0 : i32
      %dma_wait3A_877 = tpu.memref_slice %arg3[%dma_wait3A_875, %dma_wait3A_876] : memref<16x1000000xf32, #tpu.memory_space<hbm>> -> memref<16x128xf32, #tpu.memory_space<hbm>>
      %dma_wait3A_878 = arith.constant 0 : i32
      %dma_wait3A_879 = arith.constant 0 : i32
      %dma_wait3A_880 = tpu.memref_slice %arg6[%dma_wait3A_870, %dma_wait3A_878, %dma_wait3A_879] : memref<16x16x128xf32, #tpu.memory_space<vmem>> -> memref<1x16x128xf32, #tpu.memory_space<vmem>>
      %dma_wait3A_881 = tpu.memref_squeeze %dma_wait3A_880 : memref<1x16x128xf32, #tpu.memory_space<vmem>> -> memref<16x128xf32, #tpu.memory_space<vmem>>
      %dma_wait3A_882 = arith.constant 0 : i32
      %dma_wait3A_883 = arith.constant 0 : i32
      %dma_wait3A_884 = tpu.memref_slice %arg3[%dma_wait3A_882, %dma_wait3A_883] : memref<16x1000000xf32, #tpu.memory_space<hbm>> -> memref<16x128xf32, #tpu.memory_space<hbm>>
      tpu.wait_dma2 semaphore(%arg20 : memref<!tpu.dma_semaphore, #tpu.memory_space<semaphore_mem>>) src(%dma_wait3A_884 : memref<16x128xf32, #tpu.memory_space<hbm>>) dst(%dma_wait3A_881 : memref<16x128xf32, #tpu.memory_space<vmem>>)
      %get3A_885 = arith.index_cast %add3A_869 : i32 to index
      %get3A_886 = tpu.vector_load %arg5[%get3A_885] {strides = array<i32>} : memref<528xi32, #tpu.memory_space<vmem>>, vector<16xi32>,
      %slice3A_887 = vector.extract_strided_slice %get3A_886 {offsets = [0], sizes = [1], strides = [1]} : vector<16xi32> to vector<1xi32>
      %squeeze3A_888 = vector.extract %slice3A_887[0] : i32 from vector<1xi32>
      %and3A_889 = arith.constant 127 : i32
      %and3A_890 = arith.andi %squeeze3A_888, %and3A_889 : i32
      %broadcast_in_dim3A_891 = vector.broadcast %and3A_890 : i32 to vector<16xi32>
      %gather3A_892 = arith.constant 12 : i32
      %gather3A_893 = arith.constant 0 : i32
      %gather3A_894 = arith.constant 0 : i32
      %gather3A_895 = tpu.memref_slice %arg6[%gather3A_892, %gather3A_893, %gather3A_894] : memref<16x16x128xf32, #tpu.memory_space<vmem>> -> memref<1x16x128xf32, #tpu.memory_space<vmem>>
      %gather3A_896 = tpu.memref_squeeze %gather3A_895 : memref<1x16x128xf32, #tpu.memory_space<vmem>> -> memref<16x128xf32, #tpu.memory_space<vmem>>
      %gather3A_897 = tpu.vector_load_idx %gather3A_896[%iota3A, %broadcast_in_dim3A_891] : memref<16x128xf32, #tpu.memory_space<vmem>>[vector<16xi32>, vector<16xi32>], vector<16xf32>,
      %mul3A_898 = arith.constant 16 : i32
      %mul3A_899 = arith.muli %add3A_869, %mul3A_898 : i32
      %swap3A_900 = arith.index_cast %mul3A_899 : i32 to index
      %swap3A_901 = tpu.vector_load %arg7[%swap3A_900] {strides = array<i32>} : memref<8192xf32, #tpu.memory_space<vmem>>, vector<16xf32>,
      tpu.vector_store %arg7[%swap3A_900], %gather3A_897 {strides = array<i32>} : memref<8192xf32, #tpu.memory_space<vmem>>, vector<16xf32>,
      %add3A_902 = arith.constant 16 : i32
      %add3A_903 = arith.addi %add3A_869, %add3A_902 : i32
      %lt3A_904 = arith.constant 512 : i32
      %lt3A_905 = arith.cmpi slt, %add3A_903, %lt3A_904 : i32
      %convert_element_type3A_906 = arith.extui %lt3A_905 : i1 to i32
      %cond3A_907 = arith.constant 0 : i32
      %cond3A_908 = arith.cmpi ne, %convert_element_type3A_906, %cond3A_907 : i32
      scf.if %cond3A_908 {
        %add3A_1039 = arith.constant 16 : i32
        %add3A_1040 = arith.addi %add3A_869, %add3A_1039 : i32
        %get3A_1041 = arith.index_cast %add3A_1040 : i32 to index
        %get3A_1042 = tpu.vector_load %arg5[%get3A_1041] {strides = array<i32>} : memref<528xi32, #tpu.memory_space<vmem>>, vector<16xi32>,
        %slice3A_1043 = vector.extract_strided_slice %get3A_1042 {offsets = [0], sizes = [1], strides = [1]} : vector<16xi32> to vector<1xi32>
        %squeeze3A_1044 = vector.extract %slice3A_1043[0] : i32 from vector<1xi32>
        %shift_right_arithmetic3A_1045 = arith.constant 7 : i32
        %shift_right_arithmetic3A_1046 = arith.shrsi %squeeze3A_1044, %shift_right_arithmetic3A_1045 : i32
        %shift_left3A_1047 = arith.constant 7 : i32
        %shift_left3A_1048 = arith.shli %shift_right_arithmetic3A_1046, %shift_left3A_1047 : i32
        %multiple_of3A_1049 = tpu.assume_multiple %shift_left3A_1048, 128 : i32
        %dma_start3A_1050 = arith.constant 12 : i32
        %dma_start3A_1051 = arith.constant 0 : i32
        %dma_start3A_1052 = arith.constant 0 : i32
        %dma_start3A_1053 = tpu.memref_slice %arg6[%dma_start3A_1050, %dma_start3A_1051, %dma_start3A_1052] : memref<16x16x128xf32, #tpu.memory_space<vmem>> -> memref<1x16x128xf32, #tpu.memory_space<vmem>>
        %dma_start3A_1054 = tpu.memref_squeeze %dma_start3A_1053 : memref<1x16x128xf32, #tpu.memory_space<vmem>> -> memref<16x128xf32, #tpu.memory_space<vmem>>
        %dma_start3A_1055 = arith.constant 0 : i32
        %dma_start3A_1056 = tpu.memref_slice %arg3[%dma_start3A_1055, %multiple_of3A_1049] : memref<16x1000000xf32, #tpu.memory_space<hbm>> -> memref<16x128xf32, #tpu.memory_space<hbm>>
        %dma_start3A_1057 = arith.constant 0 : i32
        %dma_start3A_1058 = arith.constant 0 : i32
        %dma_start3A_1059 = tpu.memref_slice %arg6[%dma_start3A_1050, %dma_start3A_1057, %dma_start3A_1058] : memref<16x16x128xf32, #tpu.memory_space<vmem>> -> memref<1x16x128xf32, #tpu.memory_space<vmem>>
        %dma_start3A_1060 = tpu.memref_squeeze %dma_start3A_1059 : memref<1x16x128xf32, #tpu.memory_space<vmem>> -> memref<16x128xf32, #tpu.memory_space<vmem>>
        %dma_start3A_1061 = arith.constant 0 : i32
        %dma_start3A_1062 = tpu.memref_slice %arg3[%dma_start3A_1061, %multiple_of3A_1049] : memref<16x1000000xf32, #tpu.memory_space<hbm>> -> memref<16x128xf32, #tpu.memory_space<hbm>>
        tpu.enqueue_dma source(%dma_start3A_1062 : memref<16x128xf32, #tpu.memory_space<hbm>>) target(%dma_start3A_1060 : memref<16x128xf32, #tpu.memory_space<vmem>>) target_semaphore(%arg20 : memref<!tpu.dma_semaphore, #tpu.memory_space<semaphore_mem>>)
      } else {
      }
      %mul3A_909 = arith.constant 16 : i32
      %mul3A_910 = arith.muli %scan3A_356, %mul3A_909 : i32
      %add3A_911 = arith.constant 13 : i32
      %add3A_912 = arith.addi %mul3A_910, %add3A_911 : i32
      %dma_wait3A_913 = arith.constant 13 : i32
      %dma_wait3A_914 = arith.constant 0 : i32
      %dma_wait3A_915 = arith.constant 0 : i32
      %dma_wait3A_916 = tpu.memref_slice %arg6[%dma_wait3A_913, %dma_wait3A_914, %dma_wait3A_915] : memref<16x16x128xf32, #tpu.memory_space<vmem>> -> memref<1x16x128xf32, #tpu.memory_space<vmem>>
      %dma_wait3A_917 = tpu.memref_squeeze %dma_wait3A_916 : memref<1x16x128xf32, #tpu.memory_space<vmem>> -> memref<16x128xf32, #tpu.memory_space<vmem>>
      %dma_wait3A_918 = arith.constant 0 : i32
      %dma_wait3A_919 = arith.constant 0 : i32
      %dma_wait3A_920 = tpu.memref_slice %arg3[%dma_wait3A_918, %dma_wait3A_919] : memref<16x1000000xf32, #tpu.memory_space<hbm>> -> memref<16x128xf32, #tpu.memory_space<hbm>>
      %dma_wait3A_921 = arith.constant 0 : i32
      %dma_wait3A_922 = arith.constant 0 : i32
      %dma_wait3A_923 = tpu.memref_slice %arg6[%dma_wait3A_913, %dma_wait3A_921, %dma_wait3A_922] : memref<16x16x128xf32, #tpu.memory_space<vmem>> -> memref<1x16x128xf32, #tpu.memory_space<vmem>>
      %dma_wait3A_924 = tpu.memref_squeeze %dma_wait3A_923 : memref<1x16x128xf32, #tpu.memory_space<vmem>> -> memref<16x128xf32, #tpu.memory_space<vmem>>
      %dma_wait3A_925 = arith.constant 0 : i32
      %dma_wait3A_926 = arith.constant 0 : i32
      %dma_wait3A_927 = tpu.memref_slice %arg3[%dma_wait3A_925, %dma_wait3A_926] : memref<16x1000000xf32, #tpu.memory_space<hbm>> -> memref<16x128xf32, #tpu.memory_space<hbm>>
      tpu.wait_dma2 semaphore(%arg21 : memref<!tpu.dma_semaphore, #tpu.memory_space<semaphore_mem>>) src(%dma_wait3A_927 : memref<16x128xf32, #tpu.memory_space<hbm>>) dst(%dma_wait3A_924 : memref<16x128xf32, #tpu.memory_space<vmem>>)
      %get3A_928 = arith.index_cast %add3A_912 : i32 to index
      %get3A_929 = tpu.vector_load %arg5[%get3A_928] {strides = array<i32>} : memref<528xi32, #tpu.memory_space<vmem>>, vector<16xi32>,
      %slice3A_930 = vector.extract_strided_slice %get3A_929 {offsets = [0], sizes = [1], strides = [1]} : vector<16xi32> to vector<1xi32>
      %squeeze3A_931 = vector.extract %slice3A_930[0] : i32 from vector<1xi32>
      %and3A_932 = arith.constant 127 : i32
      %and3A_933 = arith.andi %squeeze3A_931, %and3A_932 : i32
      %broadcast_in_dim3A_934 = vector.broadcast %and3A_933 : i32 to vector<16xi32>
      %gather3A_935 = arith.constant 13 : i32
      %gather3A_936 = arith.constant 0 : i32
      %gather3A_937 = arith.constant 0 : i32
      %gather3A_938 = tpu.memref_slice %arg6[%gather3A_935, %gather3A_936, %gather3A_937] : memref<16x16x128xf32, #tpu.memory_space<vmem>> -> memref<1x16x128xf32, #tpu.memory_space<vmem>>
      %gather3A_939 = tpu.memref_squeeze %gather3A_938 : memref<1x16x128xf32, #tpu.memory_space<vmem>> -> memref<16x128xf32, #tpu.memory_space<vmem>>
      %gather3A_940 = tpu.vector_load_idx %gather3A_939[%iota3A, %broadcast_in_dim3A_934] : memref<16x128xf32, #tpu.memory_space<vmem>>[vector<16xi32>, vector<16xi32>], vector<16xf32>,
      %mul3A_941 = arith.constant 16 : i32
      %mul3A_942 = arith.muli %add3A_912, %mul3A_941 : i32
      %swap3A_943 = arith.index_cast %mul3A_942 : i32 to index
      %swap3A_944 = tpu.vector_load %arg7[%swap3A_943] {strides = array<i32>} : memref<8192xf32, #tpu.memory_space<vmem>>, vector<16xf32>,
      tpu.vector_store %arg7[%swap3A_943], %gather3A_940 {strides = array<i32>} : memref<8192xf32, #tpu.memory_space<vmem>>, vector<16xf32>,
      %add3A_945 = arith.constant 16 : i32
      %add3A_946 = arith.addi %add3A_912, %add3A_945 : i32
      %lt3A_947 = arith.constant 512 : i32
      %lt3A_948 = arith.cmpi slt, %add3A_946, %lt3A_947 : i32
      %convert_element_type3A_949 = arith.extui %lt3A_948 : i1 to i32
      %cond3A_950 = arith.constant 0 : i32
      %cond3A_951 = arith.cmpi ne, %convert_element_type3A_949, %cond3A_950 : i32
      scf.if %cond3A_951 {
        %add3A_1039 = arith.constant 16 : i32
        %add3A_1040 = arith.addi %add3A_912, %add3A_1039 : i32
        %get3A_1041 = arith.index_cast %add3A_1040 : i32 to index
        %get3A_1042 = tpu.vector_load %arg5[%get3A_1041] {strides = array<i32>} : memref<528xi32, #tpu.memory_space<vmem>>, vector<16xi32>,
        %slice3A_1043 = vector.extract_strided_slice %get3A_1042 {offsets = [0], sizes = [1], strides = [1]} : vector<16xi32> to vector<1xi32>
        %squeeze3A_1044 = vector.extract %slice3A_1043[0] : i32 from vector<1xi32>
        %shift_right_arithmetic3A_1045 = arith.constant 7 : i32
        %shift_right_arithmetic3A_1046 = arith.shrsi %squeeze3A_1044, %shift_right_arithmetic3A_1045 : i32
        %shift_left3A_1047 = arith.constant 7 : i32
        %shift_left3A_1048 = arith.shli %shift_right_arithmetic3A_1046, %shift_left3A_1047 : i32
        %multiple_of3A_1049 = tpu.assume_multiple %shift_left3A_1048, 128 : i32
        %dma_start3A_1050 = arith.constant 13 : i32
        %dma_start3A_1051 = arith.constant 0 : i32
        %dma_start3A_1052 = arith.constant 0 : i32
        %dma_start3A_1053 = tpu.memref_slice %arg6[%dma_start3A_1050, %dma_start3A_1051, %dma_start3A_1052] : memref<16x16x128xf32, #tpu.memory_space<vmem>> -> memref<1x16x128xf32, #tpu.memory_space<vmem>>
        %dma_start3A_1054 = tpu.memref_squeeze %dma_start3A_1053 : memref<1x16x128xf32, #tpu.memory_space<vmem>> -> memref<16x128xf32, #tpu.memory_space<vmem>>
        %dma_start3A_1055 = arith.constant 0 : i32
        %dma_start3A_1056 = tpu.memref_slice %arg3[%dma_start3A_1055, %multiple_of3A_1049] : memref<16x1000000xf32, #tpu.memory_space<hbm>> -> memref<16x128xf32, #tpu.memory_space<hbm>>
        %dma_start3A_1057 = arith.constant 0 : i32
        %dma_start3A_1058 = arith.constant 0 : i32
        %dma_start3A_1059 = tpu.memref_slice %arg6[%dma_start3A_1050, %dma_start3A_1057, %dma_start3A_1058] : memref<16x16x128xf32, #tpu.memory_space<vmem>> -> memref<1x16x128xf32, #tpu.memory_space<vmem>>
        %dma_start3A_1060 = tpu.memref_squeeze %dma_start3A_1059 : memref<1x16x128xf32, #tpu.memory_space<vmem>> -> memref<16x128xf32, #tpu.memory_space<vmem>>
        %dma_start3A_1061 = arith.constant 0 : i32
        %dma_start3A_1062 = tpu.memref_slice %arg3[%dma_start3A_1061, %multiple_of3A_1049] : memref<16x1000000xf32, #tpu.memory_space<hbm>> -> memref<16x128xf32, #tpu.memory_space<hbm>>
        tpu.enqueue_dma source(%dma_start3A_1062 : memref<16x128xf32, #tpu.memory_space<hbm>>) target(%dma_start3A_1060 : memref<16x128xf32, #tpu.memory_space<vmem>>) target_semaphore(%arg21 : memref<!tpu.dma_semaphore, #tpu.memory_space<semaphore_mem>>)
      } else {
      }
      %mul3A_952 = arith.constant 16 : i32
      %mul3A_953 = arith.muli %scan3A_356, %mul3A_952 : i32
      %add3A_954 = arith.constant 14 : i32
      %add3A_955 = arith.addi %mul3A_953, %add3A_954 : i32
      %dma_wait3A_956 = arith.constant 14 : i32
      %dma_wait3A_957 = arith.constant 0 : i32
      %dma_wait3A_958 = arith.constant 0 : i32
      %dma_wait3A_959 = tpu.memref_slice %arg6[%dma_wait3A_956, %dma_wait3A_957, %dma_wait3A_958] : memref<16x16x128xf32, #tpu.memory_space<vmem>> -> memref<1x16x128xf32, #tpu.memory_space<vmem>>
      %dma_wait3A_960 = tpu.memref_squeeze %dma_wait3A_959 : memref<1x16x128xf32, #tpu.memory_space<vmem>> -> memref<16x128xf32, #tpu.memory_space<vmem>>
      %dma_wait3A_961 = arith.constant 0 : i32
      %dma_wait3A_962 = arith.constant 0 : i32
      %dma_wait3A_963 = tpu.memref_slice %arg3[%dma_wait3A_961, %dma_wait3A_962] : memref<16x1000000xf32, #tpu.memory_space<hbm>> -> memref<16x128xf32, #tpu.memory_space<hbm>>
      %dma_wait3A_964 = arith.constant 0 : i32
      %dma_wait3A_965 = arith.constant 0 : i32
      %dma_wait3A_966 = tpu.memref_slice %arg6[%dma_wait3A_956, %dma_wait3A_964, %dma_wait3A_965] : memref<16x16x128xf32, #tpu.memory_space<vmem>> -> memref<1x16x128xf32, #tpu.memory_space<vmem>>
      %dma_wait3A_967 = tpu.memref_squeeze %dma_wait3A_966 : memref<1x16x128xf32, #tpu.memory_space<vmem>> -> memref<16x128xf32, #tpu.memory_space<vmem>>
      %dma_wait3A_968 = arith.constant 0 : i32
      %dma_wait3A_969 = arith.constant 0 : i32
      %dma_wait3A_970 = tpu.memref_slice %arg3[%dma_wait3A_968, %dma_wait3A_969] : memref<16x1000000xf32, #tpu.memory_space<hbm>> -> memref<16x128xf32, #tpu.memory_space<hbm>>
      tpu.wait_dma2 semaphore(%arg22 : memref<!tpu.dma_semaphore, #tpu.memory_space<semaphore_mem>>) src(%dma_wait3A_970 : memref<16x128xf32, #tpu.memory_space<hbm>>) dst(%dma_wait3A_967 : memref<16x128xf32, #tpu.memory_space<vmem>>)
      %get3A_971 = arith.index_cast %add3A_955 : i32 to index
      %get3A_972 = tpu.vector_load %arg5[%get3A_971] {strides = array<i32>} : memref<528xi32, #tpu.memory_space<vmem>>, vector<16xi32>,
      %slice3A_973 = vector.extract_strided_slice %get3A_972 {offsets = [0], sizes = [1], strides = [1]} : vector<16xi32> to vector<1xi32>
      %squeeze3A_974 = vector.extract %slice3A_973[0] : i32 from vector<1xi32>
      %and3A_975 = arith.constant 127 : i32
      %and3A_976 = arith.andi %squeeze3A_974, %and3A_975 : i32
      %broadcast_in_dim3A_977 = vector.broadcast %and3A_976 : i32 to vector<16xi32>
      %gather3A_978 = arith.constant 14 : i32
      %gather3A_979 = arith.constant 0 : i32
      %gather3A_980 = arith.constant 0 : i32
      %gather3A_981 = tpu.memref_slice %arg6[%gather3A_978, %gather3A_979, %gather3A_980] : memref<16x16x128xf32, #tpu.memory_space<vmem>> -> memref<1x16x128xf32, #tpu.memory_space<vmem>>
      %gather3A_982 = tpu.memref_squeeze %gather3A_981 : memref<1x16x128xf32, #tpu.memory_space<vmem>> -> memref<16x128xf32, #tpu.memory_space<vmem>>
      %gather3A_983 = tpu.vector_load_idx %gather3A_982[%iota3A, %broadcast_in_dim3A_977] : memref<16x128xf32, #tpu.memory_space<vmem>>[vector<16xi32>, vector<16xi32>], vector<16xf32>,
      %mul3A_984 = arith.constant 16 : i32
      %mul3A_985 = arith.muli %add3A_955, %mul3A_984 : i32
      %swap3A_986 = arith.index_cast %mul3A_985 : i32 to index
      %swap3A_987 = tpu.vector_load %arg7[%swap3A_986] {strides = array<i32>} : memref<8192xf32, #tpu.memory_space<vmem>>, vector<16xf32>,
      tpu.vector_store %arg7[%swap3A_986], %gather3A_983 {strides = array<i32>} : memref<8192xf32, #tpu.memory_space<vmem>>, vector<16xf32>,
      %add3A_988 = arith.constant 16 : i32
      %add3A_989 = arith.addi %add3A_955, %add3A_988 : i32
      %lt3A_990 = arith.constant 512 : i32
      %lt3A_991 = arith.cmpi slt, %add3A_989, %lt3A_990 : i32
      %convert_element_type3A_992 = arith.extui %lt3A_991 : i1 to i32
      %cond3A_993 = arith.constant 0 : i32
      %cond3A_994 = arith.cmpi ne, %convert_element_type3A_992, %cond3A_993 : i32
      scf.if %cond3A_994 {
        %add3A_1039 = arith.constant 16 : i32
        %add3A_1040 = arith.addi %add3A_955, %add3A_1039 : i32
        %get3A_1041 = arith.index_cast %add3A_1040 : i32 to index
        %get3A_1042 = tpu.vector_load %arg5[%get3A_1041] {strides = array<i32>} : memref<528xi32, #tpu.memory_space<vmem>>, vector<16xi32>,
        %slice3A_1043 = vector.extract_strided_slice %get3A_1042 {offsets = [0], sizes = [1], strides = [1]} : vector<16xi32> to vector<1xi32>
        %squeeze3A_1044 = vector.extract %slice3A_1043[0] : i32 from vector<1xi32>
        %shift_right_arithmetic3A_1045 = arith.constant 7 : i32
        %shift_right_arithmetic3A_1046 = arith.shrsi %squeeze3A_1044, %shift_right_arithmetic3A_1045 : i32
        %shift_left3A_1047 = arith.constant 7 : i32
        %shift_left3A_1048 = arith.shli %shift_right_arithmetic3A_1046, %shift_left3A_1047 : i32
        %multiple_of3A_1049 = tpu.assume_multiple %shift_left3A_1048, 128 : i32
        %dma_start3A_1050 = arith.constant 14 : i32
        %dma_start3A_1051 = arith.constant 0 : i32
        %dma_start3A_1052 = arith.constant 0 : i32
        %dma_start3A_1053 = tpu.memref_slice %arg6[%dma_start3A_1050, %dma_start3A_1051, %dma_start3A_1052] : memref<16x16x128xf32, #tpu.memory_space<vmem>> -> memref<1x16x128xf32, #tpu.memory_space<vmem>>
        %dma_start3A_1054 = tpu.memref_squeeze %dma_start3A_1053 : memref<1x16x128xf32, #tpu.memory_space<vmem>> -> memref<16x128xf32, #tpu.memory_space<vmem>>
        %dma_start3A_1055 = arith.constant 0 : i32
        %dma_start3A_1056 = tpu.memref_slice %arg3[%dma_start3A_1055, %multiple_of3A_1049] : memref<16x1000000xf32, #tpu.memory_space<hbm>> -> memref<16x128xf32, #tpu.memory_space<hbm>>
        %dma_start3A_1057 = arith.constant 0 : i32
        %dma_start3A_1058 = arith.constant 0 : i32
        %dma_start3A_1059 = tpu.memref_slice %arg6[%dma_start3A_1050, %dma_start3A_1057, %dma_start3A_1058] : memref<16x16x128xf32, #tpu.memory_space<vmem>> -> memref<1x16x128xf32, #tpu.memory_space<vmem>>
        %dma_start3A_1060 = tpu.memref_squeeze %dma_start3A_1059 : memref<1x16x128xf32, #tpu.memory_space<vmem>> -> memref<16x128xf32, #tpu.memory_space<vmem>>
        %dma_start3A_1061 = arith.constant 0 : i32
        %dma_start3A_1062 = tpu.memref_slice %arg3[%dma_start3A_1061, %multiple_of3A_1049] : memref<16x1000000xf32, #tpu.memory_space<hbm>> -> memref<16x128xf32, #tpu.memory_space<hbm>>
        tpu.enqueue_dma source(%dma_start3A_1062 : memref<16x128xf32, #tpu.memory_space<hbm>>) target(%dma_start3A_1060 : memref<16x128xf32, #tpu.memory_space<vmem>>) target_semaphore(%arg22 : memref<!tpu.dma_semaphore, #tpu.memory_space<semaphore_mem>>)
      } else {
      }
      %mul3A_995 = arith.constant 16 : i32
      %mul3A_996 = arith.muli %scan3A_356, %mul3A_995 : i32
      %add3A_997 = arith.constant 15 : i32
      %add3A_998 = arith.addi %mul3A_996, %add3A_997 : i32
      %dma_wait3A_999 = arith.constant 15 : i32
      %dma_wait3A_1000 = arith.constant 0 : i32
      %dma_wait3A_1001 = arith.constant 0 : i32
      %dma_wait3A_1002 = tpu.memref_slice %arg6[%dma_wait3A_999, %dma_wait3A_1000, %dma_wait3A_1001] : memref<16x16x128xf32, #tpu.memory_space<vmem>> -> memref<1x16x128xf32, #tpu.memory_space<vmem>>
      %dma_wait3A_1003 = tpu.memref_squeeze %dma_wait3A_1002 : memref<1x16x128xf32, #tpu.memory_space<vmem>> -> memref<16x128xf32, #tpu.memory_space<vmem>>
      %dma_wait3A_1004 = arith.constant 0 : i32
      %dma_wait3A_1005 = arith.constant 0 : i32
      %dma_wait3A_1006 = tpu.memref_slice %arg3[%dma_wait3A_1004, %dma_wait3A_1005] : memref<16x1000000xf32, #tpu.memory_space<hbm>> -> memref<16x128xf32, #tpu.memory_space<hbm>>
      %dma_wait3A_1007 = arith.constant 0 : i32
      %dma_wait3A_1008 = arith.constant 0 : i32
      %dma_wait3A_1009 = tpu.memref_slice %arg6[%dma_wait3A_999, %dma_wait3A_1007, %dma_wait3A_1008] : memref<16x16x128xf32, #tpu.memory_space<vmem>> -> memref<1x16x128xf32, #tpu.memory_space<vmem>>
      %dma_wait3A_1010 = tpu.memref_squeeze %dma_wait3A_1009 : memref<1x16x128xf32, #tpu.memory_space<vmem>> -> memref<16x128xf32, #tpu.memory_space<vmem>>
      %dma_wait3A_1011 = arith.constant 0 : i32
      %dma_wait3A_1012 = arith.constant 0 : i32
      %dma_wait3A_1013 = tpu.memref_slice %arg3[%dma_wait3A_1011, %dma_wait3A_1012] : memref<16x1000000xf32, #tpu.memory_space<hbm>> -> memref<16x128xf32, #tpu.memory_space<hbm>>
      tpu.wait_dma2 semaphore(%arg23 : memref<!tpu.dma_semaphore, #tpu.memory_space<semaphore_mem>>) src(%dma_wait3A_1013 : memref<16x128xf32, #tpu.memory_space<hbm>>) dst(%dma_wait3A_1010 : memref<16x128xf32, #tpu.memory_space<vmem>>)
      %get3A_1014 = arith.index_cast %add3A_998 : i32 to index
      %get3A_1015 = tpu.vector_load %arg5[%get3A_1014] {strides = array<i32>} : memref<528xi32, #tpu.memory_space<vmem>>, vector<16xi32>,
      %slice3A_1016 = vector.extract_strided_slice %get3A_1015 {offsets = [0], sizes = [1], strides = [1]} : vector<16xi32> to vector<1xi32>
      %squeeze3A_1017 = vector.extract %slice3A_1016[0] : i32 from vector<1xi32>
      %and3A_1018 = arith.constant 127 : i32
      %and3A_1019 = arith.andi %squeeze3A_1017, %and3A_1018 : i32
      %broadcast_in_dim3A_1020 = vector.broadcast %and3A_1019 : i32 to vector<16xi32>
      %gather3A_1021 = arith.constant 15 : i32
      %gather3A_1022 = arith.constant 0 : i32
      %gather3A_1023 = arith.constant 0 : i32
      %gather3A_1024 = tpu.memref_slice %arg6[%gather3A_1021, %gather3A_1022, %gather3A_1023] : memref<16x16x128xf32, #tpu.memory_space<vmem>> -> memref<1x16x128xf32, #tpu.memory_space<vmem>>
      %gather3A_1025 = tpu.memref_squeeze %gather3A_1024 : memref<1x16x128xf32, #tpu.memory_space<vmem>> -> memref<16x128xf32, #tpu.memory_space<vmem>>
      %gather3A_1026 = tpu.vector_load_idx %gather3A_1025[%iota3A, %broadcast_in_dim3A_1020] : memref<16x128xf32, #tpu.memory_space<vmem>>[vector<16xi32>, vector<16xi32>], vector<16xf32>,
      %mul3A_1027 = arith.constant 16 : i32
      %mul3A_1028 = arith.muli %add3A_998, %mul3A_1027 : i32
      %swap3A_1029 = arith.index_cast %mul3A_1028 : i32 to index
      %swap3A_1030 = tpu.vector_load %arg7[%swap3A_1029] {strides = array<i32>} : memref<8192xf32, #tpu.memory_space<vmem>>, vector<16xf32>,
      tpu.vector_store %arg7[%swap3A_1029], %gather3A_1026 {strides = array<i32>} : memref<8192xf32, #tpu.memory_space<vmem>>, vector<16xf32>,
      %add3A_1031 = arith.constant 16 : i32
      %add3A_1032 = arith.addi %add3A_998, %add3A_1031 : i32
      %lt3A_1033 = arith.constant 512 : i32
      %lt3A_1034 = arith.cmpi slt, %add3A_1032, %lt3A_1033 : i32
      %convert_element_type3A_1035 = arith.extui %lt3A_1034 : i1 to i32
      %cond3A_1036 = arith.constant 0 : i32
      %cond3A_1037 = arith.cmpi ne, %convert_element_type3A_1035, %cond3A_1036 : i32
      scf.if %cond3A_1037 {
        %add3A_1039 = arith.constant 16 : i32
        %add3A_1040 = arith.addi %add3A_998, %add3A_1039 : i32
        %get3A_1041 = arith.index_cast %add3A_1040 : i32 to index
        %get3A_1042 = tpu.vector_load %arg5[%get3A_1041] {strides = array<i32>} : memref<528xi32, #tpu.memory_space<vmem>>, vector<16xi32>,
        %slice3A_1043 = vector.extract_strided_slice %get3A_1042 {offsets = [0], sizes = [1], strides = [1]} : vector<16xi32> to vector<1xi32>
        %squeeze3A_1044 = vector.extract %slice3A_1043[0] : i32 from vector<1xi32>
        %shift_right_arithmetic3A_1045 = arith.constant 7 : i32
        %shift_right_arithmetic3A_1046 = arith.shrsi %squeeze3A_1044, %shift_right_arithmetic3A_1045 : i32
        %shift_left3A_1047 = arith.constant 7 : i32
        %shift_left3A_1048 = arith.shli %shift_right_arithmetic3A_1046, %shift_left3A_1047 : i32
        %multiple_of3A_1049 = tpu.assume_multiple %shift_left3A_1048, 128 : i32
        %dma_start3A_1050 = arith.constant 15 : i32
        %dma_start3A_1051 = arith.constant 0 : i32
        %dma_start3A_1052 = arith.constant 0 : i32
        %dma_start3A_1053 = tpu.memref_slice %arg6[%dma_start3A_1050, %dma_start3A_1051, %dma_start3A_1052] : memref<16x16x128xf32, #tpu.memory_space<vmem>> -> memref<1x16x128xf32, #tpu.memory_space<vmem>>
        %dma_start3A_1054 = tpu.memref_squeeze %dma_start3A_1053 : memref<1x16x128xf32, #tpu.memory_space<vmem>> -> memref<16x128xf32, #tpu.memory_space<vmem>>
        %dma_start3A_1055 = arith.constant 0 : i32
        %dma_start3A_1056 = tpu.memref_slice %arg3[%dma_start3A_1055, %multiple_of3A_1049] : memref<16x1000000xf32, #tpu.memory_space<hbm>> -> memref<16x128xf32, #tpu.memory_space<hbm>>
        %dma_start3A_1057 = arith.constant 0 : i32
        %dma_start3A_1058 = arith.constant 0 : i32
        %dma_start3A_1059 = tpu.memref_slice %arg6[%dma_start3A_1050, %dma_start3A_1057, %dma_start3A_1058] : memref<16x16x128xf32, #tpu.memory_space<vmem>> -> memref<1x16x128xf32, #tpu.memory_space<vmem>>
        %dma_start3A_1060 = tpu.memref_squeeze %dma_start3A_1059 : memref<1x16x128xf32, #tpu.memory_space<vmem>> -> memref<16x128xf32, #tpu.memory_space<vmem>>
        %dma_start3A_1061 = arith.constant 0 : i32
        %dma_start3A_1062 = tpu.memref_slice %arg3[%dma_start3A_1061, %multiple_of3A_1049] : memref<16x1000000xf32, #tpu.memory_space<hbm>> -> memref<16x128xf32, #tpu.memory_space<hbm>>
        tpu.enqueue_dma source(%dma_start3A_1062 : memref<16x128xf32, #tpu.memory_space<hbm>>) target(%dma_start3A_1060 : memref<16x128xf32, #tpu.memory_space<vmem>>) target_semaphore(%arg23 : memref<!tpu.dma_semaphore, #tpu.memory_space<semaphore_mem>>)
      } else {
      }
      %scan3A_1038 = arith.constant 0 : i32
      scf.yield %scan3A_1038 : i32
    }
    %scan3A_353 = arith.constant 32 : i32
    %mul3A_354 = arith.constant 16 : i32
    %mul3A_355 = arith.muli %mul3A_2, %mul3A_354 : i32
    "tpu.region"() ({
      %run_scoped3A = tpu.sem_alloc : memref<!tpu.dma_semaphore, #tpu.memory_space<semaphore_mem>>
      %dma_start3A_356 = tpu.memref_slice %arg4[%mul3A_355] : memref<262144xf32, #tpu.memory_space<hbm>> -> memref<8192xf32, #tpu.memory_space<hbm>>
      %dma_start3A_357 = tpu.memref_slice %arg4[%mul3A_355] : memref<262144xf32, #tpu.memory_space<hbm>> -> memref<8192xf32, #tpu.memory_space<hbm>>
      tpu.enqueue_dma source(%arg7 : memref<8192xf32, #tpu.memory_space<vmem>>) target(%dma_start3A_357 : memref<8192xf32, #tpu.memory_space<hbm>>) target_semaphore(%run_scoped3A : memref<!tpu.dma_semaphore, #tpu.memory_space<semaphore_mem>>)
      %dma_wait3A = tpu.memref_slice %arg4[%mul3A_355] : memref<262144xf32, #tpu.memory_space<hbm>> -> memref<8192xf32, #tpu.memory_space<hbm>>
      %dma_wait3A_358 = tpu.memref_slice %arg4[%mul3A_355] : memref<262144xf32, #tpu.memory_space<hbm>> -> memref<8192xf32, #tpu.memory_space<hbm>>
      tpu.wait_dma2 semaphore(%run_scoped3A : memref<!tpu.dma_semaphore, #tpu.memory_space<semaphore_mem>>) src(%arg7 : memref<8192xf32, #tpu.memory_space<vmem>>) dst(%dma_wait3A_358 : memref<8192xf32, #tpu.memory_space<hbm>>)
      tpu.yield
    }) : () -> ()
    return
  }
}

</mosaic_0001>

<sc_bundles>
// kernel: kernel.3.cloned.1.call-start
scs
__scs_entry_jumppad:
0x0: {  	(pc) =	sbr.rel $0x88, $3  }
0x1: {  	(tag) =	ssettag $0x0;
	lr =	simm.s32 $0x1  }
0x2: {  	[smem:$0x3F9F] =	sst lr;
	_ =	strace $0xD0000000  }
0x3: {  	_ = 	snop  }
0x4: {  	_ = 	snop  }
0x5: {  	_ = 	snop  }
0x6: {  	_ = 	snop  }
0x7: {  	_ = 	snop  }
__scs_overlays_trampoline_lowered:
0x8: {  	[smem:$0x3FAE] =	sst s0  }
0x9: {  	[smem:$0x3FAF] =	sst s1  }
0xa: {  	[smem:$0x3FB0] =	sst s2  }
0xb: {  	[smem:$0x3FB1] =	sst s3  }
0xc: {  	[smem:$0x3FB2] =	sst s4  }
0xd: {  	[smem:$0x3FB3] =	sst s5  }
0xe: {  	[smem:$0x3FB4] =	sst s6  }
0xf: {  	[smem:$0x3FB5] =	sst s7  }
0x10: {  	[smem:$0x3FB6] =	sst s8  }
0x11: {  	[smem:$0x3FB7] =	sst s9;
	s0 =	simm.s32 @!p0 $0x0  }
0x12: {  	s1 =	sld [smem:$0x3F9D];
	s0 =	simm.s32 @p0 $0x1  }
0x13: {  	[smem:$0x3FB8] =	sst s0;
	s0 =	simm.s32 @!p1 $0x0  }
0x14: {  	s2 =	sld [smem:$0x3F9C];
	s0 =	simm.s32 @p1 $0x1  }
0x15: {  	[smem:$0x3FB9] =	sst s0;
	s0 =	simm.s32 @!p2 $0x0  }
0x16: {  	s3 =	sld [smem:$0x3FDB];
	s0 =	simm.s32 @p2 $0x1  }
0x17: {  	s4 =	simm.s32 $0x1BF5;
	[smem:$0x3FBB] =	sst s0  }
0x18: {  	s0 =	sld [smem:$0x3F9E];
	_ =	swait.ge [sflag:s4], $0x0  }
0x19: {  	s7 =	sld [smem:$0x3F9F]  }
0x1a: {  	s8 =	sadd.s32 $0xFFFFE003, lr  }
0x1b: {  	s9 =	sadd.s32 $0xFFFFFEF7, lr;
	s5 =	simm.s32 $0xFFFFFFFF;
	p2 =	slt.u32 s8, $0xFFFFF086  }
0x1c: {  	p1 =	slt.u32 s9, $0xF7A;
	s5 =	simm.s32 @!p2 $0x0  }
0x1d: {  	s5 =	simm.s32 @p1 $0x1;
	p0 =	seq.s32 s7, s2  }
0x1e: {  	s7 =	smul.u32 @!p0 $0xF7A, s2;
	p2 =	seq.s32 @!p0 s5, $0x0  }
0x1f: {  	s9 =	smul.u32 $0xF7A, s1;
	s8 =	simm.s32 @!p0 $0x1BF5;
	p2 =	por !p2, p0  }
0x20: {  	[sflag:s8] =	ssyncset.s32 @!p0 $0xFFFFF086;
	s6 =	sadd.s32 @!p0 s3, s7;
	s7 =	simm.s32 @!p0 $0x108  }
0x21: {  	s3 =	sadd.s32 s3, s9;
	s6 =	sadd.s32 @!p0 $0x88, s6;
	s7 =	simm.s32 @p2 $0x1082  }
0x22: {  	[simem:s7], [sflag:s8] =	dma.local @!p0 [hbm:s6], $0xF7A  }
0x23: {  	s9 =	sor.u32 $0xD0000000, s2;
	s6 =	simm.s32 $0x108;
	_ =	swait.ge @!p0 [sflag:s8], $0x0  }
0x24: {  	s3 =	sadd.s32 $0x88, s3;
	s6 =	simm.s32 @!p1 $0x1082;
	[sflag:s4] =	ssyncset.s32 $0xFFFFF086  }
0x25: {  	[simem:s6], [sflag:s4] =	dma.local [hbm:s3], $0xF7A  }
0x26: {  	[smem:$0x3F9F] =	sst s1;
	(tag) =	ssettag s2;
	_ =	strace s9  }
0x27: {  	s1 =	sld [smem:$0x3FAF]  }
0x28: {  	s2 =	sld [smem:$0x3FB0]  }
0x29: {  	s4 =	sld [smem:$0x3FB2]  }
0x2a: {  	p0 =	seq.s32 s5, $0x0;
	s5 =	sld [smem:$0x3FB3]  }
0x2b: {  	s6 =	sld [smem:$0x3FB4]  }
0x2c: {  	s7 =	sld [smem:$0x3FB5]  }
0x2d: {  	s3 =	simm.s32 $0x108;
	s8 =	sld [smem:$0x3FB6]  }
0x2e: {  	s3 =	simm.s32 @!p0 $0x1082;
	s9 =	sld [smem:$0x3FB7]  }
0x2f: {  	lr =	sadd.s32 s0, s3;
	s0 =	sld [smem:$0x3FAE]  }
0x30: {  	s3 =	sld [smem:$0x3FB1]  }
0x31: {  	[smem:$0x3FBA] =	sst s10  }
0x32: {  	s10 =	sld [smem:$0x3FB8];
	_ =	sdelay $0x3  }
0x33: {  	p0 =	seq.s32 s10, $0x1;
	s10 =	sld [smem:$0x3FBA];
	_ =	sdelay $0x3  }
0x34: {  	[smem:$0x3FBA] =	sst s10  }
0x35: {  	s10 =	sld [smem:$0x3FB9];
	_ =	sdelay $0x3  }
0x36: {  	p1 =	seq.s32 s10, $0x1;
	s10 =	sld [smem:$0x3FBA];
	_ =	sdelay $0x3  }
0x37: {  	[smem:$0x3FBA] =	sst s10  }
0x38: {  	s10 =	sld [smem:$0x3FBB]  }
0x39: {  	_ = 	snop;
	(pc) =	sbr.ind lr, $3  }
0x3a: {  	_ = 	snop  }
0x3b: {  	_ = 	snop  }
0x3c: {  	p2 =	seq.s32 s10, $0x1;
	s10 =	sld [smem:$0x3FBA]  }
0x3d: {  	_ =	shalt  }
0x3e: {  	_ =	shalt  }
0x3f: {  	_ =	shalt  }
0x40: {  	_ =	shalt  }
0x41: {  	_ =	shalt  }
0x42: {  	_ =	shalt  }
0x43: {  	_ =	shalt  }
0x44: {  	_ =	shalt  }
0x45: {  	_ =	shalt  }
0x46: {  	_ =	shalt  }
0x47: {  	_ =	shalt  }
0x48: {  	_ =	shalt  }
0x49: {  	_ =	shalt  }
0x4a: {  	_ =	shalt  }
0x4b: {  	_ =	shalt  }
0x4c: {  	_ =	shalt  }
0x4d: {  	_ =	shalt  }
0x4e: {  	_ =	shalt  }
0x4f: {  	_ =	shalt  }
0x50: {  	_ =	shalt  }
0x51: {  	_ =	shalt  }
0x52: {  	_ =	shalt  }
0x53: {  	_ =	shalt  }
0x54: {  	_ =	shalt  }
0x55: {  	_ =	shalt  }
0x56: {  	_ =	shalt  }
0x57: {  	_ =	shalt  }
0x58: {  	_ =	shalt  }
0x59: {  	_ =	shalt  }
0x5a: {  	_ =	shalt  }
0x5b: {  	_ =	shalt  }
0x5c: {  	_ =	shalt  }
0x5d: {  	_ =	shalt  }
0x5e: {  	_ =	shalt  }
0x5f: {  	_ =	shalt  }
0x60: {  	_ =	shalt  }
0x61: {  	_ =	shalt  }
0x62: {  	_ =	shalt  }
0x63: {  	_ =	shalt  }
0x64: {  	_ =	shalt  }
0x65: {  	_ =	shalt  }
0x66: {  	_ =	shalt  }
0x67: {  	_ =	shalt  }
0x68: {  	_ =	shalt  }
0x69: {  	_ =	shalt  }
0x6a: {  	_ =	shalt  }
0x6b: {  	_ =	shalt  }
0x6c: {  	_ =	shalt  }
0x6d: {  	_ =	shalt  }
0x6e: {  	_ =	shalt  }
0x6f: {  	_ =	shalt  }
0x70: {  	_ =	shalt  }
0x71: {  	_ =	shalt  }
0x72: {  	_ =	shalt  }
0x73: {  	_ =	shalt  }
0x74: {  	_ =	shalt  }
0x75: {  	_ =	shalt  }
0x76: {  	_ =	shalt  }
0x77: {  	_ =	shalt  }
0x78: {  	_ =	shalt  }
0x79: {  	_ =	shalt  }
0x7a: {  	_ =	shalt  }
0x7b: {  	_ =	shalt  }
0x7c: {  	_ =	shalt  }
0x7d: {  	_ =	shalt  }
0x7e: {  	_ =	shalt  }
0x7f: {  	_ =	shalt  }
0x80: {  	_ =	shalt  }
0x81: {  	_ =	shalt  }
0x82: {  	_ =	shalt  }
0x83: {  	_ =	shalt  }
0x84: {  	_ =	shalt  }
0x85: {  	_ =	shalt  }
0x86: {  	_ =	shalt  }
0x87: {  	_ =	shalt  }
.Lfunc_end0:
.L_simem_size_0:
called_computation_lowered:
.L_overlay_start_0:
0x88: {  	s2 =	sld [smem:$0x3FD9]  }
0x89: {  	s3 =	sld [smem:$0x3FFE];
	_ =	sdelay $0x1  }
0x8a: {  	s1 =	srdreg.scid  }
0x8b: {  	s0 =	sand.u32 $0x1, s1  }
0x8c: {  	s18 =	sshll.u32 s0, $0xA;
	s2 =	sadd.s32 s3, s2  }
0x8d: {  	s2 =	sadd.s32 s2, s18  }
0x8e: {  	[smem:$0x3FC6] =	sst s2  }
0x8f: {  	_ = 	snop  }
0x90: {  	s2 =	sld [smem:$0x3FC9]  }
0x91: {  	s19 =	sld [smem:$0x3FC8]  }
0x92: {  	s4 =	sld [smem:$0x3FD0];
	(tm) =	ssettm $0x1  }
0x93: {  	s5 =	sld [smem:$0x3FFB];
	_ =	sdelay $0x3  }
0x94: {  	_ =	strace s5  }
0x95: {  	s5 =	sld [smem:$0x3FFC];
	_ =	sdelay $0x3  }
0x96: {  	_ =	strace s5  }
0x97: {  	s5 =	sld [smem:$0x3FFD];
	_ =	sdelay $0x3  }
0x98: {  	_ =	strace s5  }
0x99: {  	_ =	strace $0x8FFFFFFF  }
0x9a: {  	s20 =	sld [smem:$0x3FDB];
	_ =	sdelay $0x1  }
0x9b: {  	s6 =	simm.s32 $_scs_section_size  }
0x9c: {  	s7 =	simm.s32 $_size__tile_overlayer_lowered;
	s8 =	simm.s32 $_tile_overlayer_lowered  }
0x9d: {  	s23 =	simm.s32 $0x1BFF;
	s22 =	sshll.u32 s8, $0x1;
	s5 =	sadd.s32 s6, s20  }
0x9e: {  	s9 =	simm.s32 $0x0;
	s21 =	sshll.u32 s7, $0x1;
	s7 =	sadd.s32 s22, s5  }
0x9f: {  	[timem:s9], [sflag:s23] =	dma.local [hbm:s7], s21  }
0xa0: {  	_ =	swait.ge [sflag:s23], s21  }
0xa1: {  	s6 =	ssub.s32 $0x0, s21;
	[sflag:s23] =	ssyncset.done $0x0  }
0xa2: {  	[sflag:s23] =	ssyncadd.s32 s6;
	_ =	sdelay $0x1  }
0xa3: {  	s24 =	simm.s32 $0x1B8B  }
0xa4: {  	_ =	swait.ge [sflag:s24], $0x1  }
0xa5: {  	[sflag:s24] =	ssyncset.done $0x0  }
0xa6: {  	s25 =	simm.s32 $0x1B8E;
	[sflag:s24] =	ssyncadd.s32 $0xFFFFFFFF  }
0xa7: {  	s26 =	simm.s32 $execute0_lowered;
	[smem:$0x3FD2] =	sst s25  }
0xa8: {  	s6 =	sshll.u32 s26, $0x1;
	_ =	strace $0x80000046;
	[dreg:$0x1] =	wrdreg $0xFFFFFFFF  }
0xa9: {  	s28 =	simm.s32 $_size_execute0_lowered;
	s5 =	sadd.s32 s5, s6;
	[dreg:$0x0] =	wrdreg $0x0  }
0xaa: {  	s6 =	sshll.u32 s28, $0x1;
	[dreg:$0x2] =	wrdreg s5  }
0xab: {  	[dreg:$0x3] =	wrdreg s6  }
0xac: {  	[dreg:$0x4] =	wrdreg $0xC0  }
0xad: {  	_ =	task [dreg:s9], $0x5FFFF  }
0xae: {  	[dreg:$0x1] =	wrdreg $0xFFFFFFFF  }
0xaf: {  	[dreg:$0x0] =	wrdreg $0x60  }
0xb0: {  	[dreg:$0x2] =	wrdreg s2  }
0xb1: {  	[dreg:$0x3] =	wrdreg s19  }
0xb2: {  	[dreg:$0x4] =	wrdreg s4  }
0xb3: {  	[dreg:$0x5] =	wrdreg $0x9  }
0xb4: {  	_ =	task.clear_ibuf [dreg:s9], $0x6FFFF;
	_ =	strace $0x90000046  }
0xb5: {  	s29 =	simm.s32 $0x9;
	_ =	strace $0x80000048  }
0xb6: {  	_ =	swait.ge [sflag:s29], $0x1  }
0xb7: {  	[sflag:s29] =	ssyncadd.s32 $0xFFFFFFFF  }
0xb8: {  	_ =	strace $0x90000048  }
0xb9: {  	_ =	sfence  }
0xba: {  	s30 =	sld [smem:$0x0];
	_ =	sdelay $0x2  }
0xbb: {  	s31 =	sshll.u32 s1, $0xD;
	s1 =	sshrl.u32 s1, $0x2  }
0xbc: {  	s3 =	sand.u32 $0x4000, s31;
	s1 =	sadd.s32 s1, s30  }
0xbd: {  	s0 =	sor.u32 s3, s0;
	s1 =	sshll.u32 s1, $0x11  }
0xbe: {  	s0 =	sor.u32 s1, s0  }
0xbf: {  	s0 =	sadd.s32 $0x8F2B, s0  }
0xc0: {  	[sflag:s0] =	ssyncadd.remote.s32 $0x1  }
0xc1: {  	_ =	sfence.sel $0xFFFF  }
0xc2: {  	[dreg:$0x0] =	wrdreg $0xFFFFFFFF;
	(pc) =	sbr.abs _section_cstart, $3  }
0xc3: {  	[dreg:$0x1] =	wrdreg $0xFFFFFFFF  }
0xc4: {  	_ =	task.clear_ibuf [dreg:s9], $0x2FFFF;
	_ =	strace $0x9FFFFFFF  }
0xc5: {  	(tm) =	ssettm $0x7FFFFFFF  }
tec
execute0_lowered:
.L_overlay_start_1:
0x0: {  	(tag) =	ssettag $0x1  }
0x1: {  	s0 =	rddreg [dreg:$0x0]  }
0x2: {  	s2 =	rddreg [dreg:$0x1]  }
0x3: {  	s1 =	rddreg [dreg:$0x2]  }
0x4: {  	s3 =	srdreg.scid;
	s4 =	stileid.u32;
	s14 =	simm.s32 $0x0  }
0x5: {  	s16 =	simm.s32 $0x11;
	s8 =	simm.s32 $0x400;
	s9 =	simm.s32 $0x7A1400  }
0x6: {  	s21 =	simm.s32 $0x5A80;
	s22 =	simm.s32 $0x6280;
	s23 =	simm.s32 $0x6A80  }
0x7: {  	s28 =	simm.s32 $0x2;
	s29 =	simm.s32 $0x3;
	s30 =	simm.s32 $0x4  }
0x8: {  	s31 =	simm.s32 $0x5;
	s7 =	simm.s32 $0xC;
	s10 =	simm.s32 $0xD  }
0x9: {  	s11 =	simm.s32 $0xE;
	s12 =	simm.s32 $0xF;
	s13 =	simm.s32 $0x10  }
0xa: {  	s17 =	simm.s32 $0x0;
	s3 =	sand.u32 $0x1, s3;
	s4 =	sshll.u32 s4, $0x1  }
0xb: {  	[smem:$0x7FF] =	sst s14;
	s5 =	ssub.s32 $0x2, s3;
	s3 =	sor.u32 s3, s4  }
0xc: {  	_ =	strace $0x80000047;
	s24 =	sshrl.u32 s5, $0x1;
	s6 =	sshll.u32 s3, $0x6  }
0xd: {  	s25 =	sshll.u32 s3, $0xA;
	s3 =	simm.s32 $0x8;
	s4 =	ssub.s32 s5, s24  }
.Ltmp0:
0xe: {  	s0 =	sadd.s32 s0, s6;
	s24 =	simm.s32 $0x7280;
	(pc) =	sbr.rel .LBB2_1-.Ltmp0, $4  }
0xf: {  	s5 =	simm.s32 $0xA;
	s6 =	simm.s32 $0xB;
	[dreg:$0x4] =	wrdreg s0  }
0x10: {  	s0 =	sadd.s32 s1, s25;
	s26 =	smax.u32 s4, $0x1;
	s25 =	simm.s32 $0x7A80  }
0x11: {  	v0 =	vlaneseq.u32;
	s1 =	simm.s32 $0x7;
	s4 =	simm.s32 $0x9;
	[dreg:$0x5] =	wrdreg s0  }
0x12: {  	v0 =	vmul.u32 $0x80, v0;
	[dreg:$0x6] =	wrdreg s26;
	s26 =	simm.s32 $0x1;
	s0 =	simm.s32 $0x6  }
.LBB2_4:
0x13: {  	s14 =	simm.s32 $0x0;
	s15 =	rddreg [dreg:$0x5];
	s16 =	simm.s32 $0x8280  }
0x14: {  	[hbm4b:s15+s14] =	stream.linear.scatter [tilespmem:s16], [sflag:$0x11], $0x2000, $0x38;
	[tilespmem:$0xA280] =	vst v63  }
0x15: {  	s16 =	simm.s32 $0x11  }
0x16: {  	_ =	swait.ge [sflag:s16], $0x2000  }
0x17: {  	s17 =	rddreg [dreg:$0x7]  }
0x18: {  	s20 =	rddreg [dreg:$0x6];
	s17 =	sadd.s32 $0x1, s17  }
0x19: {  	p0 =	sne.s32 s17, s20  }
.Ltmp1:
0x1a: {  	_ = 	snop;
	(pc) =	sbr.rel @!p0 .LBB2_5-.Ltmp1, $3  }
0x1b: {  	_ =	sdelay $0x1  }
0x1c: {  	[sflag:s16] =	ssyncset.done $0x0  }
0x1d: {  	[sflag:s16] =	ssyncadd.s32 $0xFFFFE000  }
.LBB2_1:
0x1e: {  	[dreg:$0x7] =	wrdreg s17  }
0x1f: {  	s15 =	rddreg [dreg:$0x4]  }
0x20: {  	[tilespmem:s14], [sflag:$0x11] =	stream.linear.gather [hbm4b:s15+s14], $0x200, $0x38;
	[tilespmem:$0xA280] =	vst v63  }
0x21: {  	_ =	swait.ge [sflag:s16], $0x200  }
0x22: {  	[sflag:s16] =	ssyncset.done $0x0  }
0x23: {  	[sflag:s16] =	ssyncadd.s32 $0xFFFFFE00  }
0x24: {  	v1 =	vld [tilespmem:$0x0];
	_ =	sdelay $0x4  }
0x25: {  	(v2sf) =	vpush v1, $0x0;
	_ =	sdelay $0xe  }
0x26: {  	s17 =	spop (v2sf)  }
0x27: {  	s14 =	sand.u32 $0xFFFFF80, s17  }
0x28: {  	s18 =	simm.s32 $0x280;
	s14 =	sadd.s32 s2, s14  }
0x29: {  	[tilespmem:s18], [sflag:$0x1] =	stream.strided.gather [hbm4b:s14+s8], $0x800, s9, s8, $0x38;
	[tilespmem:$0xA280] =	vst v63  }
0x2a: {  	v1 =	vld [tilespmem:$0x1];
	_ =	sdelay $0x4  }
0x2b: {  	(v2sf) =	vpush v1, $0x0;
	_ =	sdelay $0xe  }
0x2c: {  	s19 =	spop (v2sf)  }
0x2d: {  	s14 =	sand.u32 $0xFFFFF80, s19  }
0x2e: {  	s20 =	simm.s32 $0xA80;
	s14 =	sadd.s32 s2, s14  }
0x2f: {  	[tilespmem:s20], [sflag:$0x2] =	stream.strided.gather [hbm4b:s14+s8], $0x800, s9, s8, $0x38;
	[tilespmem:$0xA280] =	vst v63  }
0x30: {  	v1 =	vld [tilespmem:$0x2];
	_ =	sdelay $0x4  }
0x31: {  	(v2sf) =	vpush v1, $0x0;
	_ =	sdelay $0xe  }
0x32: {  	s15 =	spop (v2sf)  }
0x33: {  	s14 =	sand.u32 $0xFFFFF80, s15  }
0x34: {  	s16 =	simm.s32 $0x1280;
	s14 =	sadd.s32 s2, s14  }
0x35: {  	[tilespmem:s16], [sflag:$0x3] =	stream.strided.gather [hbm4b:s14+s8], $0x800, s9, s8, $0x38;
	[tilespmem:$0xA280] =	vst v63  }
0x36: {  	v1 =	vld [tilespmem:$0x3];
	_ =	sdelay $0x4  }
0x37: {  	(v2sf) =	vpush v1, $0x0;
	_ =	sdelay $0xe  }
0x38: {  	s17 =	spop (v2sf)  }
0x39: {  	s14 =	sand.u32 $0xFFFFF80, s17  }
0x3a: {  	s18 =	simm.s32 $0x1A80;
	s14 =	sadd.s32 s2, s14  }
0x3b: {  	[tilespmem:s18], [sflag:$0x4] =	stream.strided.gather [hbm4b:s14+s8], $0x800, s9, s8, $0x38;
	[tilespmem:$0xA280] =	vst v63  }
0x3c: {  	v1 =	vld [tilespmem:$0x4];
	_ =	sdelay $0x4  }
0x3d: {  	(v2sf) =	vpush v1, $0x0;
	_ =	sdelay $0xe  }
0x3e: {  	s19 =	spop (v2sf)  }
0x3f: {  	s14 =	sand.u32 $0xFFFFF80, s19  }
0x40: {  	s20 =	simm.s32 $0x2280;
	s14 =	sadd.s32 s2, s14  }
0x41: {  	[tilespmem:s20], [sflag:$0x5] =	stream.strided.gather [hbm4b:s14+s8], $0x800, s9, s8, $0x38;
	[tilespmem:$0xA280] =	vst v63  }
0x42: {  	v1 =	vld [tilespmem:$0x5];
	_ =	sdelay $0x4  }
0x43: {  	(v2sf) =	vpush v1, $0x0;
	_ =	sdelay $0xe  }
0x44: {  	s15 =	spop (v2sf)  }
0x45: {  	s14 =	sand.u32 $0xFFFFF80, s15  }
0x46: {  	s16 =	simm.s32 $0x2A80;
	s14 =	sadd.s32 s2, s14  }
0x47: {  	[tilespmem:s16], [sflag:$0x6] =	stream.strided.gather [hbm4b:s14+s8], $0x800, s9, s8, $0x38;
	[tilespmem:$0xA280] =	vst v63  }
0x48: {  	v1 =	vld [tilespmem:$0x6];
	_ =	sdelay $0x4  }
0x49: {  	(v2sf) =	vpush v1, $0x0;
	_ =	sdelay $0xe  }
0x4a: {  	s17 =	spop (v2sf)  }
0x4b: {  	s14 =	sand.u32 $0xFFFFF80, s17  }
0x4c: {  	s18 =	simm.s32 $0x3280;
	s14 =	sadd.s32 s2, s14  }
0x4d: {  	[tilespmem:s18], [sflag:$0x7] =	stream.strided.gather [hbm4b:s14+s8], $0x800, s9, s8, $0x38;
	[tilespmem:$0xA280] =	vst v63  }
0x4e: {  	v1 =	vld [tilespmem:$0x7];
	_ =	sdelay $0x4  }
0x4f: {  	(v2sf) =	vpush v1, $0x0;
	_ =	sdelay $0xe  }
0x50: {  	s19 =	spop (v2sf)  }
0x51: {  	s14 =	sand.u32 $0xFFFFF80, s19  }
0x52: {  	s20 =	simm.s32 $0x3A80;
	s14 =	sadd.s32 s2, s14  }
0x53: {  	[tilespmem:s20], [sflag:$0x8] =	stream.strided.gather [hbm4b:s14+s8], $0x800, s9, s8, $0x38;
	[tilespmem:$0xA280] =	vst v63  }
0x54: {  	v1 =	vld [tilespmem:$0x8];
	_ =	sdelay $0x4  }
0x55: {  	(v2sf) =	vpush v1, $0x0;
	_ =	sdelay $0xe  }
0x56: {  	s15 =	spop (v2sf)  }
0x57: {  	s14 =	sand.u32 $0xFFFFF80, s15  }
0x58: {  	s16 =	simm.s32 $0x4280;
	s14 =	sadd.s32 s2, s14  }
0x59: {  	[tilespmem:s16], [sflag:$0x9] =	stream.strided.gather [hbm4b:s14+s8], $0x800, s9, s8, $0x38;
	[tilespmem:$0xA280] =	vst v63  }
0x5a: {  	v1 =	vld [tilespmem:$0x9];
	_ =	sdelay $0x4  }
0x5b: {  	(v2sf) =	vpush v1, $0x0;
	_ =	sdelay $0xe  }
0x5c: {  	s17 =	spop (v2sf)  }
0x5d: {  	s14 =	sand.u32 $0xFFFFF80, s17  }
0x5e: {  	s18 =	simm.s32 $0x4A80;
	s14 =	sadd.s32 s2, s14  }
0x5f: {  	[tilespmem:s18], [sflag:$0xA] =	stream.strided.gather [hbm4b:s14+s8], $0x800, s9, s8, $0x38;
	[tilespmem:$0xA280] =	vst v63  }
0x60: {  	v1 =	vld [tilespmem:$0xA];
	_ =	sdelay $0x4  }
0x61: {  	(v2sf) =	vpush v1, $0x0;
	_ =	sdelay $0xe  }
0x62: {  	s19 =	spop (v2sf)  }
0x63: {  	s14 =	sand.u32 $0xFFFFF80, s19  }
0x64: {  	s20 =	simm.s32 $0x5280;
	s14 =	sadd.s32 s2, s14  }
0x65: {  	[tilespmem:s20], [sflag:$0xB] =	stream.strided.gather [hbm4b:s14+s8], $0x800, s9, s8, $0x38;
	[tilespmem:$0xA280] =	vst v63  }
0x66: {  	v1 =	vld [tilespmem:$0xB];
	_ =	sdelay $0x4  }
0x67: {  	(v2sf) =	vpush v1, $0x0;
	_ =	sdelay $0xe  }
0x68: {  	s16 =	spop (v2sf)  }
0x69: {  	s14 =	sand.u32 $0xFFFFF80, s16  }
0x6a: {  	s14 =	sadd.s32 s2, s14  }
0x6b: {  	[tilespmem:s21], [sflag:$0xC] =	stream.strided.gather [hbm4b:s14+s8], $0x800, s9, s8, $0x38;
	[tilespmem:$0xA280] =	vst v63  }
0x6c: {  	v1 =	vld [tilespmem:$0xC];
	_ =	sdelay $0x4  }
0x6d: {  	(v2sf) =	vpush v1, $0x0;
	_ =	sdelay $0xe  }
0x6e: {  	s17 =	spop (v2sf)  }
0x6f: {  	s14 =	sand.u32 $0xFFFFF80, s17  }
0x70: {  	s14 =	sadd.s32 s2, s14  }
0x71: {  	[tilespmem:s22], [sflag:$0xD] =	stream.strided.gather [hbm4b:s14+s8], $0x800, s9, s8, $0x38;
	[tilespmem:$0xA280] =	vst v63  }
0x72: {  	v1 =	vld [tilespmem:$0xD];
	_ =	sdelay $0x4  }
0x73: {  	(v2sf) =	vpush v1, $0x0;
	_ =	sdelay $0xe  }
0x74: {  	s18 =	spop (v2sf)  }
0x75: {  	s14 =	sand.u32 $0xFFFFF80, s18  }
0x76: {  	s14 =	sadd.s32 s2, s14  }
0x77: {  	[tilespmem:s23], [sflag:$0xE] =	stream.strided.gather [hbm4b:s14+s8], $0x800, s9, s8, $0x38;
	[tilespmem:$0xA280] =	vst v63  }
0x78: {  	v1 =	vld [tilespmem:$0xE];
	_ =	sdelay $0x4  }
0x79: {  	(v2sf) =	vpush v1, $0x0;
	_ =	sdelay $0xe  }
0x7a: {  	s19 =	spop (v2sf)  }
0x7b: {  	s14 =	sand.u32 $0xFFFFF80, s19  }
0x7c: {  	s14 =	sadd.s32 s2, s14  }
0x7d: {  	[tilespmem:s24], [sflag:$0xF] =	stream.strided.gather [hbm4b:s14+s8], $0x800, s9, s8, $0x38;
	[tilespmem:$0xA280] =	vst v63  }
0x7e: {  	v1 =	vld [tilespmem:$0xF];
	_ =	sdelay $0x4  }
0x7f: {  	(v2sf) =	vpush v1, $0x0;
	_ =	sdelay $0xe  }
0x80: {  	s20 =	spop (v2sf)  }
0x81: {  	s14 =	sand.u32 $0xFFFFF80, s20  }
0x82: {  	s14 =	sadd.s32 s2, s14  }
0x83: {  	[tilespmem:s25], [sflag:$0x10] =	stream.strided.gather [hbm4b:s14+s8], $0x800, s9, s8, $0x38;
	[tilespmem:$0xA280] =	vst v63  }
0x84: {  	s15 =	simm.s32 $0x0;
	s14 =	simm.s32 $0x10  }
.LBB2_2:
0x85: {  	_ =	swait.ge [sflag:s26], $0x800  }
0x86: {  	[sflag:s26] =	ssyncset.done $0x0  }
0x87: {  	[sflag:s26] =	ssyncadd.s32 $0xFFFFF800  }
0x88: {  	v1 =	vld [tilespmem:s14+$0xFFFFFFF0];
	_ =	sdelay $0x4  }
0x89: {  	(v2sf) =	vpush v1, $0x0;
	_ =	sdelay $0xe  }
0x8a: {  	s16 =	spop (v2sf)  }
0x8b: {  	s16 =	sand.u32 $0x7F, s16  }
0x8c: {  	v1 =	vor.u32 s16, v0;
	_ =	sdelay $0x3  }
0x8d: {  	s19 =	simm.s32 $0x280  }
0x8e: {  	v1 =	vld.idx.msk [tilespmem:v1+s19+$0x0], $0xffff;
	_ =	sdelay $0x3  }
0x8f: {  	s16 =	sshra.s32 s15, $0x2  }
0x90: {  	p0 =	seq.s32 s15, $0x7C00;
	[tilespmem:s16+$0x8280] =	vst v1  }
0x91: {  	v1 =	vld @!p0 [tilespmem:s14+$0x0];
	_ =	sdelay $0x4  }
0x92: {  	(v2sf) =	vpush @!p0 v1, $0x0;
	_ =	sdelay $0xe  }
0x93: {  	s17 =	spop @!p0 (v2sf)  }
0x94: {  	s18 =	simm.s32 @!p0 $0x7A1400;
	s17 =	sand.u32 @!p0 $0xFFFFF80, s17  }
0x95: {  	s20 =	simm.s32 @!p0 $0x280;
	s19 =	sadd.s32 @!p0 s2, s17;
	s17 =	simm.s32 @!p0 $0x400  }
0x96: {  	[tilespmem:s20], [sflag:$0x1] =	stream.strided.gather @!p0 [hbm4b:s19+s17], $0x800, s18, s17, $0x38;
	[tilespmem:$0xA280] =	vst v63  }
0x97: {  	_ =	swait.ge [sflag:s28], $0x800  }
0x98: {  	[sflag:s28] =	ssyncset.done $0x0  }
0x99: {  	[sflag:s28] =	ssyncadd.s32 $0xFFFFF800  }
0x9a: {  	v1 =	vld [tilespmem:s14+$0xFFFFFFF1];
	_ =	sdelay $0x4  }
0x9b: {  	(v2sf) =	vpush v1, $0x0;
	_ =	sdelay $0xe  }
0x9c: {  	s20 =	spop (v2sf)  }
0x9d: {  	s19 =	sand.u32 $0x7F, s20  }
0x9e: {  	v1 =	vor.u32 s19, v0;
	_ =	sdelay $0x3  }
0x9f: {  	s20 =	simm.s32 $0xA80  }
0xa0: {  	v1 =	vld.idx.msk [tilespmem:v1+s20+$0x0], $0xffff;
	_ =	sdelay $0x4  }
0xa1: {  	[tilespmem:s16+$0x8290] =	vst v1  }
0xa2: {  	v1 =	vld @!p0 [tilespmem:s14+$0x1];
	_ =	sdelay $0x4  }
0xa3: {  	(v2sf) =	vpush @!p0 v1, $0x0;
	_ =	sdelay $0xe  }
0xa4: {  	s19 =	spop @!p0 (v2sf)  }
0xa5: {  	s19 =	sand.u32 @!p0 $0xFFFFF80, s19  }
0xa6: {  	s20 =	simm.s32 @!p0 $0xA80;
	s19 =	sadd.s32 @!p0 s2, s19  }
0xa7: {  	[tilespmem:s20], [sflag:$0x2] =	stream.strided.gather @!p0 [hbm4b:s19+s17], $0x800, s18, s17, $0x38;
	[tilespmem:$0xA280] =	vst v63  }
0xa8: {  	_ =	swait.ge [sflag:s29], $0x800  }
0xa9: {  	[sflag:s29] =	ssyncset.done $0x0  }
0xaa: {  	[sflag:s29] =	ssyncadd.s32 $0xFFFFF800  }
0xab: {  	v1 =	vld [tilespmem:s14+$0xFFFFFFF2];
	_ =	sdelay $0x4  }
0xac: {  	(v2sf) =	vpush v1, $0x0;
	_ =	sdelay $0xe  }
0xad: {  	s20 =	spop (v2sf)  }
0xae: {  	s19 =	sand.u32 $0x7F, s20  }
0xaf: {  	v1 =	vor.u32 s19, v0;
	_ =	sdelay $0x3  }
0xb0: {  	s20 =	simm.s32 $0x1280  }
0xb1: {  	v1 =	vld.idx.msk [tilespmem:v1+s20+$0x0], $0xffff;
	_ =	sdelay $0x4  }
0xb2: {  	[tilespmem:s16+$0x82A0] =	vst v1  }
0xb3: {  	v1 =	vld @!p0 [tilespmem:s14+$0x2];
	_ =	sdelay $0x4  }
0xb4: {  	(v2sf) =	vpush @!p0 v1, $0x0;
	_ =	sdelay $0xe  }
0xb5: {  	s19 =	spop @!p0 (v2sf)  }
0xb6: {  	s19 =	sand.u32 @!p0 $0xFFFFF80, s19  }
0xb7: {  	s20 =	simm.s32 @!p0 $0x1280;
	s19 =	sadd.s32 @!p0 s2, s19  }
0xb8: {  	[tilespmem:s20], [sflag:$0x3] =	stream.strided.gather @!p0 [hbm4b:s19+s17], $0x800, s18, s17, $0x38;
	[tilespmem:$0xA280] =	vst v63  }
0xb9: {  	_ =	swait.ge [sflag:s30], $0x800  }
0xba: {  	[sflag:s30] =	ssyncset.done $0x0  }
0xbb: {  	[sflag:s30] =	ssyncadd.s32 $0xFFFFF800  }
0xbc: {  	v1 =	vld [tilespmem:s14+$0xFFFFFFF3];
	_ =	sdelay $0x4  }
0xbd: {  	(v2sf) =	vpush v1, $0x0;
	_ =	sdelay $0xe  }
0xbe: {  	s20 =	spop (v2sf)  }
0xbf: {  	s19 =	sand.u32 $0x7F, s20  }
0xc0: {  	v1 =	vor.u32 s19, v0;
	_ =	sdelay $0x3  }
0xc1: {  	s20 =	simm.s32 $0x1A80  }
0xc2: {  	v1 =	vld.idx.msk [tilespmem:v1+s20+$0x0], $0xffff;
	_ =	sdelay $0x4  }
0xc3: {  	[tilespmem:s16+$0x82B0] =	vst v1  }
0xc4: {  	v1 =	vld @!p0 [tilespmem:s14+$0x3];
	_ =	sdelay $0x4  }
0xc5: {  	(v2sf) =	vpush @!p0 v1, $0x0;
	_ =	sdelay $0xe  }
0xc6: {  	s19 =	spop @!p0 (v2sf)  }
0xc7: {  	s19 =	sand.u32 @!p0 $0xFFFFF80, s19  }
0xc8: {  	s20 =	simm.s32 @!p0 $0x1A80;
	s19 =	sadd.s32 @!p0 s2, s19  }
0xc9: {  	[tilespmem:s20], [sflag:$0x4] =	stream.strided.gather @!p0 [hbm4b:s19+s17], $0x800, s18, s17, $0x38;
	[tilespmem:$0xA280] =	vst v63  }
0xca: {  	_ =	swait.ge [sflag:s31], $0x800  }
0xcb: {  	[sflag:s31] =	ssyncset.done $0x0  }
0xcc: {  	[sflag:s31] =	ssyncadd.s32 $0xFFFFF800  }
0xcd: {  	v1 =	vld [tilespmem:s14+$0xFFFFFFF4];
	_ =	sdelay $0x4  }
0xce: {  	(v2sf) =	vpush v1, $0x0;
	_ =	sdelay $0xe  }
0xcf: {  	s20 =	spop (v2sf)  }
0xd0: {  	s19 =	sand.u32 $0x7F, s20  }
0xd1: {  	v1 =	vor.u32 s19, v0;
	_ =	sdelay $0x3  }
0xd2: {  	s20 =	simm.s32 $0x2280  }
0xd3: {  	v1 =	vld.idx.msk [tilespmem:v1+s20+$0x0], $0xffff;
	_ =	sdelay $0x4  }
0xd4: {  	[tilespmem:s16+$0x82C0] =	vst v1  }
0xd5: {  	v1 =	vld @!p0 [tilespmem:s14+$0x4];
	_ =	sdelay $0x4  }
0xd6: {  	(v2sf) =	vpush @!p0 v1, $0x0;
	_ =	sdelay $0xe  }
0xd7: {  	s19 =	spop @!p0 (v2sf)  }
0xd8: {  	s19 =	sand.u32 @!p0 $0xFFFFF80, s19  }
0xd9: {  	s20 =	simm.s32 @!p0 $0x2280;
	s19 =	sadd.s32 @!p0 s2, s19  }
0xda: {  	[tilespmem:s20], [sflag:$0x5] =	stream.strided.gather @!p0 [hbm4b:s19+s17], $0x800, s18, s17, $0x38;
	[tilespmem:$0xA280] =	vst v63  }
0xdb: {  	_ =	swait.ge [sflag:s0], $0x800  }
0xdc: {  	[sflag:s0] =	ssyncset.done $0x0  }
0xdd: {  	[sflag:s0] =	ssyncadd.s32 $0xFFFFF800  }
0xde: {  	v1 =	vld [tilespmem:s14+$0xFFFFFFF5];
	_ =	sdelay $0x4  }
0xdf: {  	(v2sf) =	vpush v1, $0x0;
	_ =	sdelay $0xe  }
0xe0: {  	s20 =	spop (v2sf)  }
0xe1: {  	s19 =	sand.u32 $0x7F, s20  }
0xe2: {  	v1 =	vor.u32 s19, v0;
	_ =	sdelay $0x3  }
0xe3: {  	s20 =	simm.s32 $0x2A80  }
0xe4: {  	v1 =	vld.idx.msk [tilespmem:v1+s20+$0x0], $0xffff;
	_ =	sdelay $0x4  }
0xe5: {  	[tilespmem:s16+$0x82D0] =	vst v1  }
0xe6: {  	v1 =	vld @!p0 [tilespmem:s14+$0x5];
	_ =	sdelay $0x4  }
0xe7: {  	(v2sf) =	vpush @!p0 v1, $0x0;
	_ =	sdelay $0xe  }
0xe8: {  	s19 =	spop @!p0 (v2sf)  }
0xe9: {  	s19 =	sand.u32 @!p0 $0xFFFFF80, s19  }
0xea: {  	s20 =	simm.s32 @!p0 $0x2A80;
	s19 =	sadd.s32 @!p0 s2, s19  }
0xeb: {  	[tilespmem:s20], [sflag:$0x6] =	stream.strided.gather @!p0 [hbm4b:s19+s17], $0x800, s18, s17, $0x38;
	[tilespmem:$0xA280] =	vst v63  }
0xec: {  	_ =	swait.ge [sflag:s1], $0x800  }
0xed: {  	[sflag:s1] =	ssyncset.done $0x0  }
0xee: {  	[sflag:s1] =	ssyncadd.s32 $0xFFFFF800  }
0xef: {  	v1 =	vld [tilespmem:s14+$0xFFFFFFF6];
	_ =	sdelay $0x4  }
0xf0: {  	(v2sf) =	vpush v1, $0x0;
	_ =	sdelay $0xe  }
0xf1: {  	s20 =	spop (v2sf)  }
0xf2: {  	s19 =	sand.u32 $0x7F, s20  }
0xf3: {  	v1 =	vor.u32 s19, v0;
	_ =	sdelay $0x3  }
0xf4: {  	s20 =	simm.s32 $0x3280  }
0xf5: {  	v1 =	vld.idx.msk [tilespmem:v1+s20+$0x0], $0xffff;
	_ =	sdelay $0x4  }
0xf6: {  	[tilespmem:s16+$0x82E0] =	vst v1  }
0xf7: {  	v1 =	vld @!p0 [tilespmem:s14+$0x6];
	_ =	sdelay $0x4  }
0xf8: {  	(v2sf) =	vpush @!p0 v1, $0x0;
	_ =	sdelay $0xe  }
0xf9: {  	s19 =	spop @!p0 (v2sf)  }
0xfa: {  	s19 =	sand.u32 @!p0 $0xFFFFF80, s19  }
0xfb: {  	s20 =	simm.s32 @!p0 $0x3280;
	s19 =	sadd.s32 @!p0 s2, s19  }
0xfc: {  	[tilespmem:s20], [sflag:$0x7] =	stream.strided.gather @!p0 [hbm4b:s19+s17], $0x800, s18, s17, $0x38;
	[tilespmem:$0xA280] =	vst v63  }
0xfd: {  	_ =	swait.ge [sflag:s3], $0x800  }
0xfe: {  	[sflag:s3] =	ssyncset.done $0x0  }
0xff: {  	[sflag:s3] =	ssyncadd.s32 $0xFFFFF800  }
0x100: {  	v1 =	vld [tilespmem:s14+$0xFFFFFFF7];
	_ =	sdelay $0x4  }
0x101: {  	(v2sf) =	vpush v1, $0x0;
	_ =	sdelay $0xe  }
0x102: {  	s20 =	spop (v2sf)  }
0x103: {  	s19 =	sand.u32 $0x7F, s20  }
0x104: {  	v1 =	vor.u32 s19, v0;
	_ =	sdelay $0x3  }
0x105: {  	s20 =	simm.s32 $0x3A80  }
0x106: {  	v1 =	vld.idx.msk [tilespmem:v1+s20+$0x0], $0xffff;
	_ =	sdelay $0x4  }
0x107: {  	[tilespmem:s16+$0x82F0] =	vst v1  }
0x108: {  	v1 =	vld @!p0 [tilespmem:s14+$0x7];
	_ =	sdelay $0x4  }
0x109: {  	(v2sf) =	vpush @!p0 v1, $0x0;
	_ =	sdelay $0xe  }
0x10a: {  	s19 =	spop @!p0 (v2sf)  }
0x10b: {  	s19 =	sand.u32 @!p0 $0xFFFFF80, s19  }
0x10c: {  	s20 =	simm.s32 @!p0 $0x3A80;
	s19 =	sadd.s32 @!p0 s2, s19  }
0x10d: {  	[tilespmem:s20], [sflag:$0x8] =	stream.strided.gather @!p0 [hbm4b:s19+s17], $0x800, s18, s17, $0x38;
	[tilespmem:$0xA280] =	vst v63  }
0x10e: {  	_ =	swait.ge [sflag:s4], $0x800  }
0x10f: {  	[sflag:s4] =	ssyncset.done $0x0  }
0x110: {  	[sflag:s4] =	ssyncadd.s32 $0xFFFFF800  }
0x111: {  	v1 =	vld [tilespmem:s14+$0xFFFFFFF8];
	_ =	sdelay $0x4  }
0x112: {  	(v2sf) =	vpush v1, $0x0;
	_ =	sdelay $0xe  }
0x113: {  	s20 =	spop (v2sf)  }
0x114: {  	s19 =	sand.u32 $0x7F, s20  }
0x115: {  	v1 =	vor.u32 s19, v0;
	_ =	sdelay $0x3  }
0x116: {  	s20 =	simm.s32 $0x4280  }
0x117: {  	v1 =	vld.idx.msk [tilespmem:v1+s20+$0x0], $0xffff;
	_ =	sdelay $0x4  }
0x118: {  	[tilespmem:s16+$0x8300] =	vst v1  }
0x119: {  	v1 =	vld @!p0 [tilespmem:s14+$0x8];
	_ =	sdelay $0x4  }
0x11a: {  	(v2sf) =	vpush @!p0 v1, $0x0;
	_ =	sdelay $0xe  }
0x11b: {  	s19 =	spop @!p0 (v2sf)  }
0x11c: {  	s19 =	sand.u32 @!p0 $0xFFFFF80, s19  }
0x11d: {  	s20 =	simm.s32 @!p0 $0x4280;
	s19 =	sadd.s32 @!p0 s2, s19  }
0x11e: {  	[tilespmem:s20], [sflag:$0x9] =	stream.strided.gather @!p0 [hbm4b:s19+s17], $0x800, s18, s17, $0x38;
	[tilespmem:$0xA280] =	vst v63  }
0x11f: {  	_ =	swait.ge [sflag:s5], $0x800  }
0x120: {  	[sflag:s5] =	ssyncset.done $0x0  }
0x121: {  	[sflag:s5] =	ssyncadd.s32 $0xFFFFF800  }
0x122: {  	v1 =	vld [tilespmem:s14+$0xFFFFFFF9];
	_ =	sdelay $0x4  }
0x123: {  	(v2sf) =	vpush v1, $0x0;
	_ =	sdelay $0xe  }
0x124: {  	s20 =	spop (v2sf)  }
0x125: {  	s19 =	sand.u32 $0x7F, s20  }
0x126: {  	v1 =	vor.u32 s19, v0;
	_ =	sdelay $0x3  }
0x127: {  	s20 =	simm.s32 $0x4A80  }
0x128: {  	v1 =	vld.idx.msk [tilespmem:v1+s20+$0x0], $0xffff;
	_ =	sdelay $0x4  }
0x129: {  	[tilespmem:s16+$0x8310] =	vst v1  }
0x12a: {  	v1 =	vld @!p0 [tilespmem:s14+$0x9];
	_ =	sdelay $0x4  }
0x12b: {  	(v2sf) =	vpush @!p0 v1, $0x0;
	_ =	sdelay $0xe  }
0x12c: {  	s19 =	spop @!p0 (v2sf)  }
0x12d: {  	s19 =	sand.u32 @!p0 $0xFFFFF80, s19  }
0x12e: {  	s20 =	simm.s32 @!p0 $0x4A80;
	s19 =	sadd.s32 @!p0 s2, s19  }
0x12f: {  	[tilespmem:s20], [sflag:$0xA] =	stream.strided.gather @!p0 [hbm4b:s19+s17], $0x800, s18, s17, $0x38;
	[tilespmem:$0xA280] =	vst v63  }
0x130: {  	_ =	swait.ge [sflag:s6], $0x800  }
0x131: {  	[sflag:s6] =	ssyncset.done $0x0  }
0x132: {  	[sflag:s6] =	ssyncadd.s32 $0xFFFFF800  }
0x133: {  	v1 =	vld [tilespmem:s14+$0xFFFFFFFA];
	_ =	sdelay $0x4  }
0x134: {  	(v2sf) =	vpush v1, $0x0;
	_ =	sdelay $0xe  }
0x135: {  	s20 =	spop (v2sf)  }
0x136: {  	s19 =	sand.u32 $0x7F, s20  }
0x137: {  	v1 =	vor.u32 s19, v0;
	_ =	sdelay $0x3  }
0x138: {  	s20 =	simm.s32 $0x5280  }
0x139: {  	v1 =	vld.idx.msk [tilespmem:v1+s20+$0x0], $0xffff;
	_ =	sdelay $0x4  }
0x13a: {  	[tilespmem:s16+$0x8320] =	vst v1  }
0x13b: {  	v1 =	vld @!p0 [tilespmem:s14+$0xA];
	_ =	sdelay $0x4  }
0x13c: {  	(v2sf) =	vpush @!p0 v1, $0x0;
	_ =	sdelay $0xe  }
0x13d: {  	s19 =	spop @!p0 (v2sf)  }
0x13e: {  	s19 =	sand.u32 @!p0 $0xFFFFF80, s19  }
0x13f: {  	s20 =	simm.s32 @!p0 $0x5280;
	s19 =	sadd.s32 @!p0 s2, s19  }
0x140: {  	[tilespmem:s20], [sflag:$0xB] =	stream.strided.gather @!p0 [hbm4b:s19+s17], $0x800, s18, s17, $0x38;
	[tilespmem:$0xA280] =	vst v63  }
0x141: {  	_ =	swait.ge [sflag:s7], $0x800  }
0x142: {  	[sflag:s7] =	ssyncset.done $0x0  }
0x143: {  	[sflag:s7] =	ssyncadd.s32 $0xFFFFF800  }
0x144: {  	v1 =	vld [tilespmem:s14+$0xFFFFFFFB];
	_ =	sdelay $0x4  }
0x145: {  	(v2sf) =	vpush v1, $0x0;
	_ =	sdelay $0xe  }
0x146: {  	s20 =	spop (v2sf)  }
0x147: {  	s19 =	sand.u32 $0x7F, s20  }
0x148: {  	v1 =	vor.u32 s19, v0;
	_ =	sdelay $0x4  }
0x149: {  	v1 =	vld.idx.msk [tilespmem:v1+s21+$0x0], $0xffff;
	_ =	sdelay $0x4  }
0x14a: {  	[tilespmem:s16+$0x8330] =	vst v1  }
0x14b: {  	v1 =	vld @!p0 [tilespmem:s14+$0xB];
	_ =	sdelay $0x4  }
0x14c: {  	(v2sf) =	vpush @!p0 v1, $0x0;
	_ =	sdelay $0xe  }
0x14d: {  	s19 =	spop @!p0 (v2sf)  }
0x14e: {  	s19 =	sand.u32 @!p0 $0xFFFFF80, s19  }
0x14f: {  	s20 =	simm.s32 @!p0 $0x5A80;
	s19 =	sadd.s32 @!p0 s2, s19  }
0x150: {  	[tilespmem:s20], [sflag:$0xC] =	stream.strided.gather @!p0 [hbm4b:s19+s17], $0x800, s18, s17, $0x38;
	[tilespmem:$0xA280] =	vst v63  }
0x151: {  	_ =	swait.ge [sflag:s10], $0x800  }
0x152: {  	[sflag:s10] =	ssyncset.done $0x0  }
0x153: {  	[sflag:s10] =	ssyncadd.s32 $0xFFFFF800  }
0x154: {  	v1 =	vld [tilespmem:s14+$0xFFFFFFFC];
	_ =	sdelay $0x4  }
0x155: {  	(v2sf) =	vpush v1, $0x0;
	_ =	sdelay $0xe  }
0x156: {  	s20 =	spop (v2sf)  }
0x157: {  	s19 =	sand.u32 $0x7F, s20  }
0x158: {  	v1 =	vor.u32 s19, v0;
	_ =	sdelay $0x4  }
0x159: {  	v1 =	vld.idx.msk [tilespmem:v1+s22+$0x0], $0xffff;
	_ =	sdelay $0x4  }
0x15a: {  	[tilespmem:s16+$0x8340] =	vst v1  }
0x15b: {  	v1 =	vld @!p0 [tilespmem:s14+$0xC];
	_ =	sdelay $0x4  }
0x15c: {  	(v2sf) =	vpush @!p0 v1, $0x0;
	_ =	sdelay $0xe  }
0x15d: {  	s19 =	spop @!p0 (v2sf)  }
0x15e: {  	s19 =	sand.u32 @!p0 $0xFFFFF80, s19  }
0x15f: {  	s20 =	simm.s32 @!p0 $0x6280;
	s19 =	sadd.s32 @!p0 s2, s19  }
0x160: {  	[tilespmem:s20], [sflag:$0xD] =	stream.strided.gather @!p0 [hbm4b:s19+s17], $0x800, s18, s17, $0x38;
	[tilespmem:$0xA280] =	vst v63  }
0x161: {  	_ =	swait.ge [sflag:s11], $0x800  }
0x162: {  	[sflag:s11] =	ssyncset.done $0x0  }
0x163: {  	[sflag:s11] =	ssyncadd.s32 $0xFFFFF800  }
0x164: {  	v1 =	vld [tilespmem:s14+$0xFFFFFFFD];
	_ =	sdelay $0x4  }
0x165: {  	(v2sf) =	vpush v1, $0x0;
	_ =	sdelay $0xe  }
0x166: {  	s20 =	spop (v2sf)  }
0x167: {  	s19 =	sand.u32 $0x7F, s20  }
0x168: {  	v1 =	vor.u32 s19, v0;
	_ =	sdelay $0x4  }
0x169: {  	v1 =	vld.idx.msk [tilespmem:v1+s23+$0x0], $0xffff;
	_ =	sdelay $0x4  }
0x16a: {  	[tilespmem:s16+$0x8350] =	vst v1  }
0x16b: {  	v1 =	vld @!p0 [tilespmem:s14+$0xD];
	_ =	sdelay $0x4  }
0x16c: {  	(v2sf) =	vpush @!p0 v1, $0x0;
	_ =	sdelay $0xe  }
0x16d: {  	s19 =	spop @!p0 (v2sf)  }
0x16e: {  	s19 =	sand.u32 @!p0 $0xFFFFF80, s19  }
0x16f: {  	s20 =	simm.s32 @!p0 $0x6A80;
	s19 =	sadd.s32 @!p0 s2, s19  }
0x170: {  	[tilespmem:s20], [sflag:$0xE] =	stream.strided.gather @!p0 [hbm4b:s19+s17], $0x800, s18, s17, $0x38;
	[tilespmem:$0xA280] =	vst v63  }
0x171: {  	_ =	swait.ge [sflag:s12], $0x800  }
0x172: {  	[sflag:s12] =	ssyncset.done $0x0  }
0x173: {  	[sflag:s12] =	ssyncadd.s32 $0xFFFFF800  }
0x174: {  	v1 =	vld [tilespmem:s14+$0xFFFFFFFE];
	_ =	sdelay $0x4  }
0x175: {  	(v2sf) =	vpush v1, $0x0;
	_ =	sdelay $0xe  }
0x176: {  	s20 =	spop (v2sf)  }
0x177: {  	s19 =	sand.u32 $0x7F, s20  }
0x178: {  	v1 =	vor.u32 s19, v0;
	_ =	sdelay $0x4  }
0x179: {  	v1 =	vld.idx.msk [tilespmem:v1+s24+$0x0], $0xffff;
	_ =	sdelay $0x4  }
0x17a: {  	[tilespmem:s16+$0x8360] =	vst v1  }
0x17b: {  	v1 =	vld @!p0 [tilespmem:s14+$0xE];
	_ =	sdelay $0x4  }
0x17c: {  	(v2sf) =	vpush @!p0 v1, $0x0;
	_ =	sdelay $0xe  }
0x17d: {  	s19 =	spop @!p0 (v2sf)  }
0x17e: {  	s19 =	sand.u32 @!p0 $0xFFFFF80, s19  }
0x17f: {  	s20 =	simm.s32 @!p0 $0x7280;
	s19 =	sadd.s32 @!p0 s2, s19  }
0x180: {  	[tilespmem:s20], [sflag:$0xF] =	stream.strided.gather @!p0 [hbm4b:s19+s17], $0x800, s18, s17, $0x38;
	[tilespmem:$0xA280] =	vst v63  }
0x181: {  	_ =	swait.ge [sflag:s13], $0x800  }
0x182: {  	[sflag:s13] =	ssyncset.done $0x0  }
0x183: {  	[sflag:s13] =	ssyncadd.s32 $0xFFFFF800  }
0x184: {  	v1 =	vld [tilespmem:s14+$0xFFFFFFFF];
	_ =	sdelay $0x4  }
0x185: {  	(v2sf) =	vpush v1, $0x0;
	_ =	sdelay $0xe  }
0x186: {  	s20 =	spop (v2sf)  }
0x187: {  	s17 =	sand.u32 $0x7F, s20  }
0x188: {  	v1 =	vor.u32 s17, v0;
	_ =	sdelay $0x4  }
0x189: {  	v1 =	vld.idx.msk [tilespmem:v1+s25+$0x0], $0xffff  }
.Ltmp2:
0x18a: {  	_ = 	snop;
	(pc) =	sbr.rel @p0 .LBB2_4-.Ltmp2, $2  }
0x18b: {  	_ =	sdelay $0x2  }
0x18c: {  	[tilespmem:s16+$0x8370] =	vst v1  }
0x18d: {  	v1 =	vld [tilespmem:s14+$0xF];
	_ =	sdelay $0x4  }
0x18e: {  	(v2sf) =	vpush v1, $0x0;
	_ =	sdelay $0xd  }
.Ltmp3:
0x18f: {  	_ = 	snop;
	(pc) =	sbr.rel .LBB2_2-.Ltmp3, $4  }
0x190: {  	s16 =	spop (v2sf)  }
0x191: {  	s16 =	sand.u32 $0xFFFFF80, s16  }
0x192: {  	s15 =	sadd.s32 $0x400, s15;
	s14 =	sadd.s32 $0x10, s14;
	s16 =	sadd.s32 s2, s16  }
0x193: {  	[tilespmem:s25], [sflag:$0x10] =	stream.strided.gather [hbm4b:s16+s8], $0x800, s9, s8, $0x38;
	[tilespmem:$0xA280] =	vst v63  }
.LBB2_5:
0x194: {  	_ =	sfence.sel $0x180000  }
0x195: {  	[bflag:$0x0] =	sbarrier.arrive $0xFFFF  }
0x196: {  	_ =	strace $0x90000047  }
0x197: {  	s0 =	stileid.u32;
	[bflag:$0x2] =	sbarrier.arrive $0xFFFF  }
0x198: {  	p0 =	sne.s32 s0, $0x0;
	s0 =	rddreg [dreg:$0x3]  }
0x199: {  	s0 =	sadd.s32 @!p0 $0x100000, s0  }
0x19a: {  	[sflag:s0] =	ssyncadd.tile.s32 @!p0 $0x1;
	_ =	shalt  }
.Lfunc_end2:
_tile_overlayer_lowered:
.L_overlay_start_2:
0x19b: {  	(tag) =	ssettag $0x2  }
0x19c: {  	s0 =	rddreg [dreg:$0x0];
	s2 =	stileid.u32  }
0x19d: {  	s1 =	rddreg [dreg:$0x1];
	p0 =	sne.s32 s2, $0x0  }
0x19e: {  	s3 =	rddreg [dreg:$0x2];
	[bflag:$0x3] =	sbarrier.arrive $0xFFFF;
	s2 =	simm.s32 @!p0 $0x1C11  }
0x19f: {  	[timem:s3], [sflag:s2] =	dma.local @!p0 [hbm:s0], s1  }
0x1a0: {  	s0 =	simm.s32 @!p0 $0x11  }
0x1a1: {  	_ =	swait.ge @!p0 [sflag:s0], s1  }
0x1a2: {  	s1 =	ssub.s32 @!p0 $0x0, s1;
	[sflag:s0] =	ssyncset.done @!p0 $0x0  }
0x1a3: {  	[sflag:s0] =	ssyncadd.s32 @!p0 s1  }
0x1a4: {  	[bflag:$0x3] =	sbarrier.arrive $0xFFFF  }
0x1a5: {  	_ =	shalt  }

</sc_bundles>
